<compile_context>
chip_gen: v7x
topology: tpu7x:2x2x1
jax: 0.10.2.dev20260603
libtpu: 0.0.44.dev20260713+nightly
codegen_flags: <defaults>
</compile_context>

<pallas_src>
import functools

import jax
import jax.numpy as jnp
import numpy as np
from jax import lax
from jax.experimental import pallas as pl
from jax.experimental.pallas import tpu as pltpu
from jax.experimental.pallas import tpu_sc as plsc

EMB_DIM = 128
SEQ = 200
SCALE = float(np.sqrt(float(EMB_DIM)))

NUM_CORES = 2
NUM_SUBCORES = 16
NUM_WORKERS = NUM_CORES * NUM_SUBCORES
CHUNK = 128
VEC = 16
GRPS = EMB_DIM // VEC


def _pos_table(max_length, emb_dim):
    pos = np.arange(max_length)[:, np.newaxis]
    div_term = np.exp(np.arange(0, emb_dim, 2) * -(np.log(10000.0) / emb_dim))
    pos_emb = pos * div_term
    pos_emb = np.stack([np.sin(pos_emb), np.cos(pos_emb)], axis=1).reshape(max_length, -1)
    pos_emb[1:, 1::2] = 0
    return pos_emb.astype(np.float32)


_POS = _pos_table(SEQ + 1, EMB_DIM)[:SEQ]
PSEQ = 256
_POSP = np.concatenate([_POS, np.zeros((PSEQ - SEQ, EMB_DIM), np.float32)], axis=0)


def _encode_body(idx_hbm, sidx_hbm, emb_hbm, seg_hbm, pos_hbm, out_hbm,
                 idx_all, sidx_all, aidx_all, comb_sh, segv, rows, addbuf, obuf,
                 gsem, gsemb, asem, osem, rows_per_w, n_chunks):
    wid = lax.axis_index("s") * NUM_CORES + lax.axis_index("c")
    wbase = wid * rows_per_w

    pltpu.sync_copy(idx_hbm.at[pl.ds(wbase, rows_per_w)], idx_all)
    pltpu.sync_copy(sidx_hbm.at[pl.ds(wbase, rows_per_w)], sidx_all)
    pltpu.sync_copy(seg_hbm, segv)

    tid = lax.axis_index("s")
    BUILD = 2 * PSEQ // NUM_SUBCORES
    half = tid // (NUM_SUBCORES // 2)
    l0 = pl.multiple_of(lax.rem(tid, NUM_SUBCORES // 2) * BUILD, 8)
    pltpu.sync_copy(pos_hbm.at[pl.ds(l0, BUILD)], rows[0].at[pl.ds(0, BUILD)])

    @plsc.parallel_loop(0, BUILD)
    def _(r):
        for g in range(GRPS):
            sl = pl.ds(g * VEC, VEC)
            rows[0][r, sl] = rows[0][r, sl] + segv[half, sl]

    pltpu.sync_copy(rows[0].at[pl.ds(0, BUILD)],
                    comb_sh.at[pl.ds(pl.multiple_of(tid * BUILD, 8), BUILD)])
    plsc.subcore_barrier()

    @plsc.parallel_loop(0, rows_per_w // VEC, unroll=2)
    def _(v):
        base = v * VEC
        l16 = lax.rem(base + lax.iota(jnp.int32, VEC), SEQ)
        aidx_all[pl.ds(base, VEC)] = sidx_all[pl.ds(base, VEC)] * PSEQ + l16

    NSTR = 2
    HCH = CHUNK // NSTR
    gsems = [gsem, gsemb]

    def issue(s, ci):
        off = ci * CHUNK
        for k in range(NSTR):
            pltpu.async_copy(emb_hbm.at[idx_all.at[pl.ds(off + k * HCH, HCH)]],
                             rows[s].at[pl.ds(k * HCH, HCH)], gsems[k][s])
        pltpu.async_copy(comb_sh.at[aidx_all.at[pl.ds(off, CHUNK)]], addbuf[s], asem[s])

    def wait_gathers(s, ci):
        off = ci * CHUNK
        for k in range(NSTR):
            pltpu.make_async_copy(emb_hbm.at[idx_all.at[pl.ds(off + k * HCH, HCH)]],
                                  rows[s].at[pl.ds(k * HCH, HCH)], gsems[k][s]).wait()
        pltpu.make_async_copy(comb_sh.at[aidx_all.at[pl.ds(off, CHUNK)]], addbuf[s], asem[s]).wait()

    def out_start(s, ci):
        base = wbase + ci * CHUNK
        pltpu.async_copy(obuf[s], out_hbm.at[pl.ds(base, CHUNK)], osem[s])

    def out_wait(s, ci):
        base = wbase + ci * CHUNK
        pltpu.make_async_copy(obuf[s], out_hbm.at[pl.ds(base, CHUNK)], osem[s]).wait()

    def compute(s, ci):
        @plsc.parallel_loop(0, CHUNK, unroll=4)
        def _(r):
            for g in range(GRPS):
                sl = pl.ds(g * VEC, VEC)
                obuf[s][r, sl] = rows[s][r, sl] * SCALE + addbuf[s][r, sl]

    issue(0, 0)
    issue(1, 1)

    def chunk_pair(ci2, carry):
        for s in (0, 1):
            ci = ci2 * 2 + s
            wait_gathers(s, ci)

            @pl.when(ci2 >= 1)
            def _():
                out_wait(s, ci - 2)

            compute(s, ci)

            @pl.when(ci + 2 < n_chunks)
            def _():
                issue(s, ci + 2)

            out_start(s, ci)
        return carry

    lax.fori_loop(0, n_chunks // 2, chunk_pair, 0, unroll=False)
    out_wait(0, n_chunks - 2)
    out_wait(1, n_chunks - 1)


def kernel(batch, segment_ids, emb_table, seg_table):
    B, L = batch.shape
    N = B * L
    rows_per_w = N // NUM_WORKERS
    n_chunks = rows_per_w // CHUNK

    idx = batch.reshape(N).astype(jnp.int32)
    sidx = segment_ids.reshape(N).astype(jnp.int32)
    pos = jnp.asarray(_POSP)

    body = functools.partial(_encode_body, rows_per_w=rows_per_w, n_chunks=n_chunks)
    run = pl.kernel(
        body,
        out_type=jax.ShapeDtypeStruct((N, EMB_DIM), jnp.float32),
        mesh=plsc.VectorSubcoreMesh(
            core_axis_name="c", subcore_axis_name="s",
            num_cores=NUM_CORES, num_subcores=NUM_SUBCORES),
        scratch_types=[
            pltpu.VMEM((rows_per_w,), jnp.int32),
            pltpu.VMEM((rows_per_w,), jnp.int32),
            pltpu.VMEM((rows_per_w,), jnp.int32),
            pltpu.VMEM_SHARED((2 * PSEQ, EMB_DIM), jnp.float32),
            pltpu.VMEM((2, EMB_DIM), jnp.float32),
            [pltpu.VMEM((CHUNK, EMB_DIM), jnp.float32) for _ in range(2)],
            [pltpu.VMEM((CHUNK, EMB_DIM), jnp.float32) for _ in range(2)],
            [pltpu.VMEM((CHUNK, EMB_DIM), jnp.float32) for _ in range(2)],
            [pltpu.SemaphoreType.DMA for _ in range(2)],
            [pltpu.SemaphoreType.DMA for _ in range(2)],
            [pltpu.SemaphoreType.DMA for _ in range(2)],
            [pltpu.SemaphoreType.DMA for _ in range(2)],
        ],
    )
    out = run(idx, sidx, emb_table, seg_table, pos)
    return out.reshape(B, L, EMB_DIM)

# --- scband reference (transcript-rebuilt; emitter-appended) ---
"""Pipeline reference for scband-encodings-71725953843743 (READ-ONLY COPY).

The authoritative reference and input builder live on the scoring server;
editing this copy changes nothing except your own understanding.
"""

import jax, jax.numpy as jnp
import numpy as np

EMB_DIM = 128
SEQ_LENGTH = 200
VOCAB_SIZE = 100000
BATCH = 1024


def sinusoidal_pos_embedding(max_length, emb_dim):
    pos = np.arange(max_length)[:, np.newaxis]
    div_term = np.exp(np.arange(0, emb_dim, 2) * -(np.log(10000.0) / emb_dim))
    pos_emb = pos * div_term
    pos_emb = np.stack([np.sin(pos_emb), np.cos(pos_emb)], axis=1).reshape(max_length, -1)
    pos_emb[1:, 1::2] = 0
    return jnp.asarray(pos_emb, dtype=jnp.float32)


def setup_inputs(seed: int = 0) -> dict:
    key = jax.random.key(seed)
    k1, k2, k3, k4 = jax.random.split(key, 4)
    batch = jax.random.randint(k1, (BATCH, SEQ_LENGTH), 0, VOCAB_SIZE)
    segment_ids = jax.random.randint(k2, (BATCH, SEQ_LENGTH), 0, 2)
    emb_table = jax.random.uniform(k3, (VOCAB_SIZE, EMB_DIM), dtype=jnp.float32, minval=-0.05, maxval=0.05)
    seg_table = jax.random.uniform(k4, (2, EMB_DIM), dtype=jnp.float32, minval=-0.05, maxval=0.05)
    return {"batch": batch, "segment_ids": segment_ids, "emb_table": emb_table, "seg_table": seg_table}


def reference(batch, segment_ids, emb_table, seg_table):
    emb_dim = emb_table.shape[1]
    L = batch.shape[1]
    embedding_out = jnp.take(emb_table, batch, axis=0)
    embedding_out = embedding_out * jnp.sqrt(jnp.float32(emb_dim))
    pos_embedding = sinusoidal_pos_embedding(SEQ_LENGTH + 1, emb_dim)
    pos_embedding = pos_embedding[:L][None, :, :]
    embedding_out = embedding_out + pos_embedding
    segment_embeds = jnp.take(seg_table, segment_ids, axis=0)
    embedding_out = embedding_out + segment_embeds
    return embedding_out

if __name__ == "__main__":
    import jax
    _d = setup_inputs()
    print(jax.jit(kernel)(*tuple(_d.values())))

</pallas_src>

<mosaic_0001>
#map = affine_map<(d0, d1) -> (0)>
#map1 = affine_map<(d0, d1) -> (0, 0)>
module attributes {stable_mosaic.version = 14 : i64} {
  func.func @_encode_body(%arg0: i32, %arg1: i32, %arg2: memref<204800xi32, #tpu.memory_space<hbm>>, %arg3: memref<204800xi32, #tpu.memory_space<hbm>>, %arg4: memref<100000x128xf32, #tpu.memory_space<hbm>>, %arg5: memref<2x128xf32, #tpu.memory_space<hbm>>, %arg6: memref<256x128xf32, #tpu.memory_space<hbm>>, %arg7: memref<204800x128xf32, #tpu.memory_space<hbm>>, %arg8: memref<6400xi32, #tpu.memory_space<vmem>>, %arg9: memref<6400xi32, #tpu.memory_space<vmem>>, %arg10: memref<6400xi32, #tpu.memory_space<vmem>>, %arg11: memref<512x128xf32, #tpu.memory_space<vmem_shared>>, %arg12: memref<2x128xf32, #tpu.memory_space<vmem>>, %arg13: memref<128x128xf32, #tpu.memory_space<vmem>>, %arg14: memref<128x128xf32, #tpu.memory_space<vmem>>, %arg15: memref<128x128xf32, #tpu.memory_space<vmem>>, %arg16: memref<128x128xf32, #tpu.memory_space<vmem>>, %arg17: memref<128x128xf32, #tpu.memory_space<vmem>>, %arg18: memref<128x128xf32, #tpu.memory_space<vmem>>, %arg19: memref<!tpu.dma_semaphore, #tpu.memory_space<semaphore_mem>>, %arg20: memref<!tpu.dma_semaphore, #tpu.memory_space<semaphore_mem>>, %arg21: memref<!tpu.dma_semaphore, #tpu.memory_space<semaphore_mem>>, %arg22: memref<!tpu.dma_semaphore, #tpu.memory_space<semaphore_mem>>, %arg23: memref<!tpu.dma_semaphore, #tpu.memory_space<semaphore_mem>>, %arg24: memref<!tpu.dma_semaphore, #tpu.memory_space<semaphore_mem>>, %arg25: memref<!tpu.dma_semaphore, #tpu.memory_space<semaphore_mem>>, %arg26: memref<!tpu.dma_semaphore, #tpu.memory_space<semaphore_mem>>) attributes {dimension_semantics = [#tpu.dimension_semantics<core_parallel>, #tpu.dimension_semantics<subcore_parallel>], iteration_bounds = array<i64: 2, 16>, scalar_prefetch = 0 : i64, scratch_operands = 19 : i64, tpu.core_type = #tpu.core_type<sc_vector_subcore>, window_params = [{transform_indices = #map}, {transform_indices = #map}, {transform_indices = #map1}, {transform_indices = #map1}, {transform_indices = #map1}, {transform_indices = #map1}]} {
    %mul3A = arith.constant 2 : i32
    %mul3A_0 = arith.muli %arg1, %mul3A : i32
    %add3A = arith.addi %mul3A_0, %arg0 : i32
    %mul3A_1 = arith.constant 6400 : i32
    %mul3A_2 = arith.muli %add3A, %mul3A_1 : i32
    "tpu.region"() ({
      %run_scoped3A = tpu.sem_alloc : memref<!tpu.dma_semaphore, #tpu.memory_space<semaphore_mem>>
      %dma_start3A_88 = tpu.memref_slice %arg2[%mul3A_2] : memref<204800xi32, #tpu.memory_space<hbm>> -> memref<6400xi32, #tpu.memory_space<hbm>>
      %dma_start3A_89 = tpu.memref_slice %arg2[%mul3A_2] : memref<204800xi32, #tpu.memory_space<hbm>> -> memref<6400xi32, #tpu.memory_space<hbm>>
      tpu.enqueue_dma source(%dma_start3A_89 : memref<6400xi32, #tpu.memory_space<hbm>>) target(%arg8 : memref<6400xi32, #tpu.memory_space<vmem>>) target_semaphore(%run_scoped3A : memref<!tpu.dma_semaphore, #tpu.memory_space<semaphore_mem>>)
      %dma_wait3A_90 = tpu.memref_slice %arg2[%mul3A_2] : memref<204800xi32, #tpu.memory_space<hbm>> -> memref<6400xi32, #tpu.memory_space<hbm>>
      %dma_wait3A_91 = tpu.memref_slice %arg2[%mul3A_2] : memref<204800xi32, #tpu.memory_space<hbm>> -> memref<6400xi32, #tpu.memory_space<hbm>>
      tpu.wait_dma2 semaphore(%run_scoped3A : memref<!tpu.dma_semaphore, #tpu.memory_space<semaphore_mem>>) src(%dma_wait3A_91 : memref<6400xi32, #tpu.memory_space<hbm>>) dst(%arg8 : memref<6400xi32, #tpu.memory_space<vmem>>)
      tpu.yield
    }) : () -> ()
    "tpu.region"() ({
      %run_scoped3A = tpu.sem_alloc : memref<!tpu.dma_semaphore, #tpu.memory_space<semaphore_mem>>
      %dma_start3A_88 = tpu.memref_slice %arg3[%mul3A_2] : memref<204800xi32, #tpu.memory_space<hbm>> -> memref<6400xi32, #tpu.memory_space<hbm>>
      %dma_start3A_89 = tpu.memref_slice %arg3[%mul3A_2] : memref<204800xi32, #tpu.memory_space<hbm>> -> memref<6400xi32, #tpu.memory_space<hbm>>
      tpu.enqueue_dma source(%dma_start3A_89 : memref<6400xi32, #tpu.memory_space<hbm>>) target(%arg9 : memref<6400xi32, #tpu.memory_space<vmem>>) target_semaphore(%run_scoped3A : memref<!tpu.dma_semaphore, #tpu.memory_space<semaphore_mem>>)
      %dma_wait3A_90 = tpu.memref_slice %arg3[%mul3A_2] : memref<204800xi32, #tpu.memory_space<hbm>> -> memref<6400xi32, #tpu.memory_space<hbm>>
      %dma_wait3A_91 = tpu.memref_slice %arg3[%mul3A_2] : memref<204800xi32, #tpu.memory_space<hbm>> -> memref<6400xi32, #tpu.memory_space<hbm>>
      tpu.wait_dma2 semaphore(%run_scoped3A : memref<!tpu.dma_semaphore, #tpu.memory_space<semaphore_mem>>) src(%dma_wait3A_91 : memref<6400xi32, #tpu.memory_space<hbm>>) dst(%arg9 : memref<6400xi32, #tpu.memory_space<vmem>>)
      tpu.yield
    }) : () -> ()
    "tpu.region"() ({
      %run_scoped3A = tpu.sem_alloc : memref<!tpu.dma_semaphore, #tpu.memory_space<semaphore_mem>>
      tpu.enqueue_dma source(%arg5 : memref<2x128xf32, #tpu.memory_space<hbm>>) target(%arg12 : memref<2x128xf32, #tpu.memory_space<vmem>>) target_semaphore(%run_scoped3A : memref<!tpu.dma_semaphore, #tpu.memory_space<semaphore_mem>>)
      tpu.wait_dma2 semaphore(%run_scoped3A : memref<!tpu.dma_semaphore, #tpu.memory_space<semaphore_mem>>) src(%arg5 : memref<2x128xf32, #tpu.memory_space<hbm>>) dst(%arg12 : memref<2x128xf32, #tpu.memory_space<vmem>>)
      tpu.yield
    }) : () -> ()
    %jit3A = arith.constant 8 : i32
    %div3A = arith.divsi %arg1, %jit3A : i32
    %sign3A = arith.constant 0 : i32
    %sign3A_3 = arith.cmpi sgt, %arg1, %sign3A : i32
    %sign3A_4 = arith.extui %sign3A_3 : i1 to i32
    %sign3A_5 = arith.constant 0 : i32
    %sign3A_6 = arith.cmpi slt, %arg1, %sign3A_5 : i32
    %sign3A_7 = arith.extui %sign3A_6 : i1 to i32
    %sign3A_8 = arith.subi %sign3A_4, %sign3A_7 : i32
    %sign3A_9 = arith.constant 0 : i32
    %sign3A_10 = arith.cmpi sgt, %jit3A, %sign3A_9 : i32
    %sign3A_11 = arith.extui %sign3A_10 : i1 to i32
    %sign3A_12 = arith.constant 0 : i32
    %sign3A_13 = arith.cmpi slt, %jit3A, %sign3A_12 : i32
    %sign3A_14 = arith.extui %sign3A_13 : i1 to i32
    %sign3A_15 = arith.subi %sign3A_11, %sign3A_14 : i32
    %ne3A = arith.cmpi ne, %sign3A_8, %sign3A_15 : i32
    %rem3A = arith.remsi %arg1, %jit3A : i32
    %ne3A_16 = arith.constant 0 : i32
    %ne3A_17 = arith.cmpi ne, %rem3A, %ne3A_16 : i32
    %and3A = arith.andi %ne3A, %ne3A_17 : i1
    %sub3A = arith.constant 1 : i32
    %sub3A_18 = arith.subi %div3A, %sub3A : i32
    %select_n3A = arith.select %and3A, %sub3A_18, %div3A : i32
    %rem3A_19 = arith.constant 8 : i32
    %rem3A_20 = arith.remsi %arg1, %rem3A_19 : i32
    %mul3A_21 = arith.constant 32 : i32
    %mul3A_22 = arith.muli %rem3A_20, %mul3A_21 : i32
    %multiple_of3A = tpu.assume_multiple %mul3A_22, 8 : i32
    "tpu.region"() ({
      %run_scoped3A = tpu.sem_alloc : memref<!tpu.dma_semaphore, #tpu.memory_space<semaphore_mem>>
      %dma_start3A_88 = arith.constant 0 : i32
      %dma_start3A_89 = arith.constant 0 : i32
      %dma_start3A_90 = tpu.memref_slice %arg13[%dma_start3A_88, %dma_start3A_89] : memref<128x128xf32, #tpu.memory_space<vmem>> -> memref<32x128xf32, #tpu.memory_space<vmem>>
      %dma_start3A_91 = arith.constant 0 : i32
      %dma_start3A_92 = tpu.memref_slice %arg6[%multiple_of3A, %dma_start3A_91] : memref<256x128xf32, #tpu.memory_space<hbm>> -> memref<32x128xf32, #tpu.memory_space<hbm>>
      %dma_start3A_93 = arith.constant 0 : i32
      %dma_start3A_94 = arith.constant 0 : i32
      %dma_start3A_95 = tpu.memref_slice %arg13[%dma_start3A_93, %dma_start3A_94] : memref<128x128xf32, #tpu.memory_space<vmem>> -> memref<32x128xf32, #tpu.memory_space<vmem>>
      %dma_start3A_96 = arith.constant 0 : i32
      %dma_start3A_97 = tpu.memref_slice %arg6[%multiple_of3A, %dma_start3A_96] : memref<256x128xf32, #tpu.memory_space<hbm>> -> memref<32x128xf32, #tpu.memory_space<hbm>>
      tpu.enqueue_dma source(%dma_start3A_97 : memref<32x128xf32, #tpu.memory_space<hbm>>) target(%dma_start3A_95 : memref<32x128xf32, #tpu.memory_space<vmem>>) target_semaphore(%run_scoped3A : memref<!tpu.dma_semaphore, #tpu.memory_space<semaphore_mem>>)
      %dma_wait3A_98 = arith.constant 0 : i32
      %dma_wait3A_99 = arith.constant 0 : i32
      %dma_wait3A_100 = tpu.memref_slice %arg13[%dma_wait3A_98, %dma_wait3A_99] : memref<128x128xf32, #tpu.memory_space<vmem>> -> memref<32x128xf32, #tpu.memory_space<vmem>>
      %dma_wait3A_101 = arith.constant 0 : i32
      %dma_wait3A_102 = tpu.memref_slice %arg6[%multiple_of3A, %dma_wait3A_101] : memref<256x128xf32, #tpu.memory_space<hbm>> -> memref<32x128xf32, #tpu.memory_space<hbm>>
      %dma_wait3A_103 = arith.constant 0 : i32
      %dma_wait3A_104 = arith.constant 0 : i32
      %dma_wait3A_105 = tpu.memref_slice %arg13[%dma_wait3A_103, %dma_wait3A_104] : memref<128x128xf32, #tpu.memory_space<vmem>> -> memref<32x128xf32, #tpu.memory_space<vmem>>
      %dma_wait3A_106 = arith.constant 0 : i32
      %dma_wait3A_107 = tpu.memref_slice %arg6[%multiple_of3A, %dma_wait3A_106] : memref<256x128xf32, #tpu.memory_space<hbm>> -> memref<32x128xf32, #tpu.memory_space<hbm>>
      tpu.wait_dma2 semaphore(%run_scoped3A : memref<!tpu.dma_semaphore, #tpu.memory_space<semaphore_mem>>) src(%dma_wait3A_107 : memref<32x128xf32, #tpu.memory_space<hbm>>) dst(%dma_wait3A_105 : memref<32x128xf32, #tpu.memory_space<vmem>>)
      tpu.yield
    }) : () -> ()
    %parallel_loop3A = arith.constant 0 : i32
    %parallel_loop3A_23 = arith.constant 32 : i32
    %parallel_loop3A_24 = arith.constant 1 : i32
    scf.for %parallel_loop3A_88 = %parallel_loop3A to %parallel_loop3A_23 step %parallel_loop3A_24  : i32 {
      %parallel_loop3A_89 = arith.index_cast %parallel_loop3A_88 : i32 to index
      %parallel_loop3A_90 = arith.constant 0 : index
      %parallel_loop3A_91 = tpu.vector_load %arg13[%parallel_loop3A_89, %parallel_loop3A_90] {strides = array<i32>} : memref<128x128xf32, #tpu.memory_space<vmem>>, vector<1x16xf32>,
      %parallel_loop3A_92 = vector.shape_cast %parallel_loop3A_91 : vector<1x16xf32> to vector<16xf32>
      %parallel_loop3A_93 = arith.index_cast %select_n3A : i32 to index
      %parallel_loop3A_94 = arith.constant 0 : index
      %parallel_loop3A_95 = tpu.vector_load %arg12[%parallel_loop3A_93, %parallel_loop3A_94] {strides = array<i32>} : memref<2x128xf32, #tpu.memory_space<vmem>>, vector<1x16xf32>,
      %parallel_loop3A_96 = vector.shape_cast %parallel_loop3A_95 : vector<1x16xf32> to vector<16xf32>
      %parallel_loop3A_97 = arith.addf %parallel_loop3A_92, %parallel_loop3A_96 : vector<16xf32>
      %parallel_loop3A_98 = arith.index_cast %parallel_loop3A_88 : i32 to index
      %parallel_loop3A_99 = arith.constant 0 : index
      %parallel_loop3A_100 = tpu.vector_load %arg13[%parallel_loop3A_98, %parallel_loop3A_99] {strides = array<i32>} : memref<128x128xf32, #tpu.memory_space<vmem>>, vector<1x16xf32>,
      %parallel_loop3A_101 = vector.shape_cast %parallel_loop3A_100 : vector<1x16xf32> to vector<16xf32>
      %parallel_loop3A_102 = vector.shape_cast %parallel_loop3A_97 : vector<16xf32> to vector<1x16xf32>
      tpu.vector_store %arg13[%parallel_loop3A_98, %parallel_loop3A_99], %parallel_loop3A_102 {strides = array<i32>} : memref<128x128xf32, #tpu.memory_space<vmem>>, vector<1x16xf32>,
      %parallel_loop3A_103 = arith.index_cast %parallel_loop3A_88 : i32 to index
      %parallel_loop3A_104 = arith.constant 16 : index
      %parallel_loop3A_105 = tpu.vector_load %arg13[%parallel_loop3A_103, %parallel_loop3A_104] {strides = array<i32>} : memref<128x128xf32, #tpu.memory_space<vmem>>, vector<1x16xf32>,
      %parallel_loop3A_106 = vector.shape_cast %parallel_loop3A_105 : vector<1x16xf32> to vector<16xf32>
      %parallel_loop3A_107 = arith.index_cast %select_n3A : i32 to index
      %parallel_loop3A_108 = arith.constant 16 : index
      %parallel_loop3A_109 = tpu.vector_load %arg12[%parallel_loop3A_107, %parallel_loop3A_108] {strides = array<i32>} : memref<2x128xf32, #tpu.memory_space<vmem>>, vector<1x16xf32>,
      %parallel_loop3A_110 = vector.shape_cast %parallel_loop3A_109 : vector<1x16xf32> to vector<16xf32>
      %parallel_loop3A_111 = arith.addf %parallel_loop3A_106, %parallel_loop3A_110 : vector<16xf32>
      %parallel_loop3A_112 = arith.index_cast %parallel_loop3A_88 : i32 to index
      %parallel_loop3A_113 = arith.constant 16 : index
      %parallel_loop3A_114 = tpu.vector_load %arg13[%parallel_loop3A_112, %parallel_loop3A_113] {strides = array<i32>} : memref<128x128xf32, #tpu.memory_space<vmem>>, vector<1x16xf32>,
      %parallel_loop3A_115 = vector.shape_cast %parallel_loop3A_114 : vector<1x16xf32> to vector<16xf32>
      %parallel_loop3A_116 = vector.shape_cast %parallel_loop3A_111 : vector<16xf32> to vector<1x16xf32>
      tpu.vector_store %arg13[%parallel_loop3A_112, %parallel_loop3A_113], %parallel_loop3A_116 {strides = array<i32>} : memref<128x128xf32, #tpu.memory_space<vmem>>, vector<1x16xf32>,
      %parallel_loop3A_117 = arith.index_cast %parallel_loop3A_88 : i32 to index
      %parallel_loop3A_118 = arith.constant 32 : index
      %parallel_loop3A_119 = tpu.vector_load %arg13[%parallel_loop3A_117, %parallel_loop3A_118] {strides = array<i32>} : memref<128x128xf32, #tpu.memory_space<vmem>>, vector<1x16xf32>,
      %parallel_loop3A_120 = vector.shape_cast %parallel_loop3A_119 : vector<1x16xf32> to vector<16xf32>
      %parallel_loop3A_121 = arith.index_cast %select_n3A : i32 to index
      %parallel_loop3A_122 = arith.constant 32 : index
      %parallel_loop3A_123 = tpu.vector_load %arg12[%parallel_loop3A_121, %parallel_loop3A_122] {strides = array<i32>} : memref<2x128xf32, #tpu.memory_space<vmem>>, vector<1x16xf32>,
      %parallel_loop3A_124 = vector.shape_cast %parallel_loop3A_123 : vector<1x16xf32> to vector<16xf32>
      %parallel_loop3A_125 = arith.addf %parallel_loop3A_120, %parallel_loop3A_124 : vector<16xf32>
      %parallel_loop3A_126 = arith.index_cast %parallel_loop3A_88 : i32 to index
      %parallel_loop3A_127 = arith.constant 32 : index
      %parallel_loop3A_128 = tpu.vector_load %arg13[%parallel_loop3A_126, %parallel_loop3A_127] {strides = array<i32>} : memref<128x128xf32, #tpu.memory_space<vmem>>, vector<1x16xf32>,
      %parallel_loop3A_129 = vector.shape_cast %parallel_loop3A_128 : vector<1x16xf32> to vector<16xf32>
      %parallel_loop3A_130 = vector.shape_cast %parallel_loop3A_125 : vector<16xf32> to vector<1x16xf32>
      tpu.vector_store %arg13[%parallel_loop3A_126, %parallel_loop3A_127], %parallel_loop3A_130 {strides = array<i32>} : memref<128x128xf32, #tpu.memory_space<vmem>>, vector<1x16xf32>,
      %parallel_loop3A_131 = arith.index_cast %parallel_loop3A_88 : i32 to index
      %parallel_loop3A_132 = arith.constant 48 : index
      %parallel_loop3A_133 = tpu.vector_load %arg13[%parallel_loop3A_131, %parallel_loop3A_132] {strides = array<i32>} : memref<128x128xf32, #tpu.memory_space<vmem>>, vector<1x16xf32>,
      %parallel_loop3A_134 = vector.shape_cast %parallel_loop3A_133 : vector<1x16xf32> to vector<16xf32>
      %parallel_loop3A_135 = arith.index_cast %select_n3A : i32 to index
      %parallel_loop3A_136 = arith.constant 48 : index
      %parallel_loop3A_137 = tpu.vector_load %arg12[%parallel_loop3A_135, %parallel_loop3A_136] {strides = array<i32>} : memref<2x128xf32, #tpu.memory_space<vmem>>, vector<1x16xf32>,
      %parallel_loop3A_138 = vector.shape_cast %parallel_loop3A_137 : vector<1x16xf32> to vector<16xf32>
      %parallel_loop3A_139 = arith.addf %parallel_loop3A_134, %parallel_loop3A_138 : vector<16xf32>
      %parallel_loop3A_140 = arith.index_cast %parallel_loop3A_88 : i32 to index
      %parallel_loop3A_141 = arith.constant 48 : index
      %parallel_loop3A_142 = tpu.vector_load %arg13[%parallel_loop3A_140, %parallel_loop3A_141] {strides = array<i32>} : memref<128x128xf32, #tpu.memory_space<vmem>>, vector<1x16xf32>,
      %parallel_loop3A_143 = vector.shape_cast %parallel_loop3A_142 : vector<1x16xf32> to vector<16xf32>
      %parallel_loop3A_144 = vector.shape_cast %parallel_loop3A_139 : vector<16xf32> to vector<1x16xf32>
      tpu.vector_store %arg13[%parallel_loop3A_140, %parallel_loop3A_141], %parallel_loop3A_144 {strides = array<i32>} : memref<128x128xf32, #tpu.memory_space<vmem>>, vector<1x16xf32>,
      %parallel_loop3A_145 = arith.index_cast %parallel_loop3A_88 : i32 to index
      %parallel_loop3A_146 = arith.constant 64 : index
      %parallel_loop3A_147 = tpu.vector_load %arg13[%parallel_loop3A_145, %parallel_loop3A_146] {strides = array<i32>} : memref<128x128xf32, #tpu.memory_space<vmem>>, vector<1x16xf32>,
      %parallel_loop3A_148 = vector.shape_cast %parallel_loop3A_147 : vector<1x16xf32> to vector<16xf32>
      %parallel_loop3A_149 = arith.index_cast %select_n3A : i32 to index
      %parallel_loop3A_150 = arith.constant 64 : index
      %parallel_loop3A_151 = tpu.vector_load %arg12[%parallel_loop3A_149, %parallel_loop3A_150] {strides = array<i32>} : memref<2x128xf32, #tpu.memory_space<vmem>>, vector<1x16xf32>,
      %parallel_loop3A_152 = vector.shape_cast %parallel_loop3A_151 : vector<1x16xf32> to vector<16xf32>
      %parallel_loop3A_153 = arith.addf %parallel_loop3A_148, %parallel_loop3A_152 : vector<16xf32>
      %parallel_loop3A_154 = arith.index_cast %parallel_loop3A_88 : i32 to index
      %parallel_loop3A_155 = arith.constant 64 : index
      %parallel_loop3A_156 = tpu.vector_load %arg13[%parallel_loop3A_154, %parallel_loop3A_155] {strides = array<i32>} : memref<128x128xf32, #tpu.memory_space<vmem>>, vector<1x16xf32>,
      %parallel_loop3A_157 = vector.shape_cast %parallel_loop3A_156 : vector<1x16xf32> to vector<16xf32>
      %parallel_loop3A_158 = vector.shape_cast %parallel_loop3A_153 : vector<16xf32> to vector<1x16xf32>
      tpu.vector_store %arg13[%parallel_loop3A_154, %parallel_loop3A_155], %parallel_loop3A_158 {strides = array<i32>} : memref<128x128xf32, #tpu.memory_space<vmem>>, vector<1x16xf32>,
      %parallel_loop3A_159 = arith.index_cast %parallel_loop3A_88 : i32 to index
      %parallel_loop3A_160 = arith.constant 80 : index
      %parallel_loop3A_161 = tpu.vector_load %arg13[%parallel_loop3A_159, %parallel_loop3A_160] {strides = array<i32>} : memref<128x128xf32, #tpu.memory_space<vmem>>, vector<1x16xf32>,
      %parallel_loop3A_162 = vector.shape_cast %parallel_loop3A_161 : vector<1x16xf32> to vector<16xf32>
      %parallel_loop3A_163 = arith.index_cast %select_n3A : i32 to index
      %parallel_loop3A_164 = arith.constant 80 : index
      %parallel_loop3A_165 = tpu.vector_load %arg12[%parallel_loop3A_163, %parallel_loop3A_164] {strides = array<i32>} : memref<2x128xf32, #tpu.memory_space<vmem>>, vector<1x16xf32>,
      %parallel_loop3A_166 = vector.shape_cast %parallel_loop3A_165 : vector<1x16xf32> to vector<16xf32>
      %parallel_loop3A_167 = arith.addf %parallel_loop3A_162, %parallel_loop3A_166 : vector<16xf32>
      %parallel_loop3A_168 = arith.index_cast %parallel_loop3A_88 : i32 to index
      %parallel_loop3A_169 = arith.constant 80 : index
      %parallel_loop3A_170 = tpu.vector_load %arg13[%parallel_loop3A_168, %parallel_loop3A_169] {strides = array<i32>} : memref<128x128xf32, #tpu.memory_space<vmem>>, vector<1x16xf32>,
      %parallel_loop3A_171 = vector.shape_cast %parallel_loop3A_170 : vector<1x16xf32> to vector<16xf32>
      %parallel_loop3A_172 = vector.shape_cast %parallel_loop3A_167 : vector<16xf32> to vector<1x16xf32>
      tpu.vector_store %arg13[%parallel_loop3A_168, %parallel_loop3A_169], %parallel_loop3A_172 {strides = array<i32>} : memref<128x128xf32, #tpu.memory_space<vmem>>, vector<1x16xf32>,
      %parallel_loop3A_173 = arith.index_cast %parallel_loop3A_88 : i32 to index
      %parallel_loop3A_174 = arith.constant 96 : index
      %parallel_loop3A_175 = tpu.vector_load %arg13[%parallel_loop3A_173, %parallel_loop3A_174] {strides = array<i32>} : memref<128x128xf32, #tpu.memory_space<vmem>>, vector<1x16xf32>,
      %parallel_loop3A_176 = vector.shape_cast %parallel_loop3A_175 : vector<1x16xf32> to vector<16xf32>
      %parallel_loop3A_177 = arith.index_cast %select_n3A : i32 to index
      %parallel_loop3A_178 = arith.constant 96 : index
      %parallel_loop3A_179 = tpu.vector_load %arg12[%parallel_loop3A_177, %parallel_loop3A_178] {strides = array<i32>} : memref<2x128xf32, #tpu.memory_space<vmem>>, vector<1x16xf32>,
      %parallel_loop3A_180 = vector.shape_cast %parallel_loop3A_179 : vector<1x16xf32> to vector<16xf32>
      %parallel_loop3A_181 = arith.addf %parallel_loop3A_176, %parallel_loop3A_180 : vector<16xf32>
      %parallel_loop3A_182 = arith.index_cast %parallel_loop3A_88 : i32 to index
      %parallel_loop3A_183 = arith.constant 96 : index
      %parallel_loop3A_184 = tpu.vector_load %arg13[%parallel_loop3A_182, %parallel_loop3A_183] {strides = array<i32>} : memref<128x128xf32, #tpu.memory_space<vmem>>, vector<1x16xf32>,
      %parallel_loop3A_185 = vector.shape_cast %parallel_loop3A_184 : vector<1x16xf32> to vector<16xf32>
      %parallel_loop3A_186 = vector.shape_cast %parallel_loop3A_181 : vector<16xf32> to vector<1x16xf32>
      tpu.vector_store %arg13[%parallel_loop3A_182, %parallel_loop3A_183], %parallel_loop3A_186 {strides = array<i32>} : memref<128x128xf32, #tpu.memory_space<vmem>>, vector<1x16xf32>,
      %parallel_loop3A_187 = arith.index_cast %parallel_loop3A_88 : i32 to index
      %parallel_loop3A_188 = arith.constant 112 : index
      %parallel_loop3A_189 = tpu.vector_load %arg13[%parallel_loop3A_187, %parallel_loop3A_188] {strides = array<i32>} : memref<128x128xf32, #tpu.memory_space<vmem>>, vector<1x16xf32>,
      %parallel_loop3A_190 = vector.shape_cast %parallel_loop3A_189 : vector<1x16xf32> to vector<16xf32>
      %parallel_loop3A_191 = arith.index_cast %select_n3A : i32 to index
      %parallel_loop3A_192 = arith.constant 112 : index
      %parallel_loop3A_193 = tpu.vector_load %arg12[%parallel_loop3A_191, %parallel_loop3A_192] {strides = array<i32>} : memref<2x128xf32, #tpu.memory_space<vmem>>, vector<1x16xf32>,
      %parallel_loop3A_194 = vector.shape_cast %parallel_loop3A_193 : vector<1x16xf32> to vector<16xf32>
      %parallel_loop3A_195 = arith.addf %parallel_loop3A_190, %parallel_loop3A_194 : vector<16xf32>
      %parallel_loop3A_196 = arith.index_cast %parallel_loop3A_88 : i32 to index
      %parallel_loop3A_197 = arith.constant 112 : index
      %parallel_loop3A_198 = tpu.vector_load %arg13[%parallel_loop3A_196, %parallel_loop3A_197] {strides = array<i32>} : memref<128x128xf32, #tpu.memory_space<vmem>>, vector<1x16xf32>,
      %parallel_loop3A_199 = vector.shape_cast %parallel_loop3A_198 : vector<1x16xf32> to vector<16xf32>
      %parallel_loop3A_200 = vector.shape_cast %parallel_loop3A_195 : vector<16xf32> to vector<1x16xf32>
      tpu.vector_store %arg13[%parallel_loop3A_196, %parallel_loop3A_197], %parallel_loop3A_200 {strides = array<i32>} : memref<128x128xf32, #tpu.memory_space<vmem>>, vector<1x16xf32>,
    } {sc.loop_unroll_factor = 1 : i64, sc.parallel_access}
    %mul3A_25 = arith.constant 32 : i32
    %mul3A_26 = arith.muli %arg1, %mul3A_25 : i32
    %multiple_of3A_27 = tpu.assume_multiple %mul3A_26, 8 : i32
    "tpu.region"() ({
      %run_scoped3A = tpu.sem_alloc : memref<!tpu.dma_semaphore, #tpu.memory_space<semaphore_mem>>
      %dma_start3A_88 = arith.constant 0 : i32
      %dma_start3A_89 = arith.constant 0 : i32
      %dma_start3A_90 = tpu.memref_slice %arg13[%dma_start3A_88, %dma_start3A_89] : memref<128x128xf32, #tpu.memory_space<vmem>> -> memref<32x128xf32, #tpu.memory_space<vmem>>
      %dma_start3A_91 = arith.constant 0 : i32
      %dma_start3A_92 = tpu.memref_slice %arg11[%multiple_of3A_27, %dma_start3A_91] : memref<512x128xf32, #tpu.memory_space<vmem_shared>> -> memref<32x128xf32, #tpu.memory_space<vmem_shared>>
      %dma_start3A_93 = arith.constant 0 : i32
      %dma_start3A_94 = tpu.memref_slice %arg11[%multiple_of3A_27, %dma_start3A_93] : memref<512x128xf32, #tpu.memory_space<vmem_shared>> -> memref<32x128xf32, #tpu.memory_space<vmem_shared>>
      %dma_start3A_95 = arith.constant 0 : i32
      %dma_start3A_96 = arith.constant 0 : i32
      %dma_start3A_97 = tpu.memref_slice %arg13[%dma_start3A_95, %dma_start3A_96] : memref<128x128xf32, #tpu.memory_space<vmem>> -> memref<32x128xf32, #tpu.memory_space<vmem>>
      tpu.enqueue_dma source(%dma_start3A_97 : memref<32x128xf32, #tpu.memory_space<vmem>>) target(%dma_start3A_94 : memref<32x128xf32, #tpu.memory_space<vmem_shared>>) target_semaphore(%run_scoped3A : memref<!tpu.dma_semaphore, #tpu.memory_space<semaphore_mem>>)
      %dma_wait3A_98 = arith.constant 0 : i32
      %dma_wait3A_99 = arith.constant 0 : i32
      %dma_wait3A_100 = tpu.memref_slice %arg13[%dma_wait3A_98, %dma_wait3A_99] : memref<128x128xf32, #tpu.memory_space<vmem>> -> memref<32x128xf32, #tpu.memory_space<vmem>>
      %dma_wait3A_101 = arith.constant 0 : i32
      %dma_wait3A_102 = tpu.memref_slice %arg11[%multiple_of3A_27, %dma_wait3A_101] : memref<512x128xf32, #tpu.memory_space<vmem_shared>> -> memref<32x128xf32, #tpu.memory_space<vmem_shared>>
      %dma_wait3A_103 = arith.constant 0 : i32
      %dma_wait3A_104 = tpu.memref_slice %arg11[%multiple_of3A_27, %dma_wait3A_103] : memref<512x128xf32, #tpu.memory_space<vmem_shared>> -> memref<32x128xf32, #tpu.memory_space<vmem_shared>>
      %dma_wait3A_105 = arith.constant 0 : i32
      %dma_wait3A_106 = arith.constant 0 : i32
      %dma_wait3A_107 = tpu.memref_slice %arg13[%dma_wait3A_105, %dma_wait3A_106] : memref<128x128xf32, #tpu.memory_space<vmem>> -> memref<32x128xf32, #tpu.memory_space<vmem>>
      tpu.wait_dma2 semaphore(%run_scoped3A : memref<!tpu.dma_semaphore, #tpu.memory_space<semaphore_mem>>) src(%dma_wait3A_107 : memref<32x128xf32, #tpu.memory_space<vmem>>) dst(%dma_wait3A_104 : memref<32x128xf32, #tpu.memory_space<vmem_shared>>)
      tpu.yield
    }) : () -> ()
    %barrier3A = arith.constant 0 : index
    tpu.barrier barrier_id(%barrier3A)
    %parallel_loop3A_28 = arith.constant 0 : i32
    %parallel_loop3A_29 = arith.constant 400 : i32
    %parallel_loop3A_30 = arith.constant 1 : i32
    scf.for %parallel_loop3A_88 = %parallel_loop3A_28 to %parallel_loop3A_29 step %parallel_loop3A_30  : i32 {
      %parallel_loop3A_89 = arith.constant 16 : i32
      %parallel_loop3A_90 = arith.muli %parallel_loop3A_88, %parallel_loop3A_89 : i32
      %parallel_loop3A_91 = tpu.iota {dimensions = array<i32: 0>} : vector<16xi32>
      %parallel_loop3A_92 = vector.broadcast %parallel_loop3A_90 : i32 to vector<16xi32>
      %parallel_loop3A_93 = arith.addi %parallel_loop3A_92, %parallel_loop3A_91 : vector<16xi32>
      %parallel_loop3A_94 = arith.constant 200 : i32
      %parallel_loop3A_95 = vector.broadcast %parallel_loop3A_94 : i32 to vector<16xi32>
      %parallel_loop3A_96 = arith.remsi %parallel_loop3A_93, %parallel_loop3A_95 : vector<16xi32>
      %parallel_loop3A_97 = arith.index_cast %parallel_loop3A_90 : i32 to index
      %parallel_loop3A_98 = tpu.vector_load %arg9[%parallel_loop3A_97] {strides = array<i32>} : memref<6400xi32, #tpu.memory_space<vmem>>, vector<16xi32>,
      %parallel_loop3A_99 = vector.shape_cast %parallel_loop3A_98 : vector<16xi32> to vector<16xi32>
      %parallel_loop3A_100 = arith.constant 256 : i32
      %parallel_loop3A_101 = vector.broadcast %parallel_loop3A_100 : i32 to vector<16xi32>
      %parallel_loop3A_102 = arith.muli %parallel_loop3A_99, %parallel_loop3A_101 : vector<16xi32>
      %parallel_loop3A_103 = arith.addi %parallel_loop3A_102, %parallel_loop3A_96 : vector<16xi32>
      %parallel_loop3A_104 = arith.index_cast %parallel_loop3A_90 : i32 to index
      %parallel_loop3A_105 = tpu.vector_load %arg10[%parallel_loop3A_104] {strides = array<i32>} : memref<6400xi32, #tpu.memory_space<vmem>>, vector<16xi32>,
      %parallel_loop3A_106 = vector.shape_cast %parallel_loop3A_105 : vector<16xi32> to vector<16xi32>
      %parallel_loop3A_107 = vector.shape_cast %parallel_loop3A_103 : vector<16xi32> to vector<16xi32>
      tpu.vector_store %arg10[%parallel_loop3A_104], %parallel_loop3A_107 {strides = array<i32>} : memref<6400xi32, #tpu.memory_space<vmem>>, vector<16xi32>,
    } {sc.loop_unroll_factor = 2 : i64, sc.parallel_access}
    %dma_start3A = arith.constant 0 : i32
    %dma_start3A_31 = arith.constant 0 : i32
    %dma_start3A_32 = tpu.memref_slice %arg13[%dma_start3A, %dma_start3A_31] : memref<128x128xf32, #tpu.memory_space<vmem>> -> memref<64x128xf32, #tpu.memory_space<vmem>>
    %dma_start3A_33 = arith.constant 0 : i32
    %dma_start3A_34 = tpu.memref_slice %arg8[%dma_start3A_33] : memref<6400xi32, #tpu.memory_space<vmem>> -> memref<64xi32, #tpu.memory_space<vmem>>
    %dma_start3A_35 = arith.constant 0 : i32
    %dma_start3A_36 = arith.constant 0 : i32
    %dma_start3A_37 = tpu.memref_slice %arg4[%dma_start3A_35, %dma_start3A_36] : memref<100000x128xf32, #tpu.memory_space<hbm>> -> memref<100000x128xf32, #tpu.memory_space<hbm>>
    tpu.enqueue_indirect_dma source(%dma_start3A_37 : memref<100000x128xf32, #tpu.memory_space<hbm>>) target(%dma_start3A_32 : memref<64x128xf32, #tpu.memory_space<vmem>>) offsets(%dma_start3A_34 : memref<64xi32, #tpu.memory_space<vmem>>) semaphore(%arg19 : memref<!tpu.dma_semaphore, #tpu.memory_space<semaphore_mem>>)
    %dma_start3A_38 = arith.constant 64 : i32
    %dma_start3A_39 = arith.constant 0 : i32
    %dma_start3A_40 = tpu.memref_slice %arg13[%dma_start3A_38, %dma_start3A_39] : memref<128x128xf32, #tpu.memory_space<vmem>> -> memref<64x128xf32, #tpu.memory_space<vmem>>
    %dma_start3A_41 = arith.constant 64 : i32
    %dma_start3A_42 = tpu.memref_slice %arg8[%dma_start3A_41] : memref<6400xi32, #tpu.memory_space<vmem>> -> memref<64xi32, #tpu.memory_space<vmem>>
    %dma_start3A_43 = arith.constant 0 : i32
    %dma_start3A_44 = arith.constant 0 : i32
    %dma_start3A_45 = tpu.memref_slice %arg4[%dma_start3A_43, %dma_start3A_44] : memref<100000x128xf32, #tpu.memory_space<hbm>> -> memref<100000x128xf32, #tpu.memory_space<hbm>>
    tpu.enqueue_indirect_dma source(%dma_start3A_45 : memref<100000x128xf32, #tpu.memory_space<hbm>>) target(%dma_start3A_40 : memref<64x128xf32, #tpu.memory_space<vmem>>) offsets(%dma_start3A_42 : memref<64xi32, #tpu.memory_space<vmem>>) semaphore(%arg21 : memref<!tpu.dma_semaphore, #tpu.memory_space<semaphore_mem>>)
    %dma_start3A_46 = arith.constant 0 : i32
    %dma_start3A_47 = tpu.memref_slice %arg10[%dma_start3A_46] : memref<6400xi32, #tpu.memory_space<vmem>> -> memref<128xi32, #tpu.memory_space<vmem>>
    %dma_start3A_48 = arith.constant 0 : i32
    %dma_start3A_49 = arith.constant 0 : i32
    %dma_start3A_50 = tpu.memref_slice %arg11[%dma_start3A_48, %dma_start3A_49] : memref<512x128xf32, #tpu.memory_space<vmem_shared>> -> memref<512x128xf32, #tpu.memory_space<vmem_shared>>
    tpu.enqueue_indirect_dma source(%dma_start3A_50 : memref<512x128xf32, #tpu.memory_space<vmem_shared>>) target(%arg15 : memref<128x128xf32, #tpu.memory_space<vmem>>) offsets(%dma_start3A_47 : memref<128xi32, #tpu.memory_space<vmem>>) semaphore(%arg23 : memref<!tpu.dma_semaphore, #tpu.memory_space<semaphore_mem>>)
    %dma_start3A_51 = arith.constant 0 : i32
    %dma_start3A_52 = arith.constant 0 : i32
    %dma_start3A_53 = tpu.memref_slice %arg14[%dma_start3A_51, %dma_start3A_52] : memref<128x128xf32, #tpu.memory_space<vmem>> -> memref<64x128xf32, #tpu.memory_space<vmem>>
    %dma_start3A_54 = arith.constant 128 : i32
    %dma_start3A_55 = tpu.memref_slice %arg8[%dma_start3A_54] : memref<6400xi32, #tpu.memory_space<vmem>> -> memref<64xi32, #tpu.memory_space<vmem>>
    %dma_start3A_56 = arith.constant 0 : i32
    %dma_start3A_57 = arith.constant 0 : i32
    %dma_start3A_58 = tpu.memref_slice %arg4[%dma_start3A_56, %dma_start3A_57] : memref<100000x128xf32, #tpu.memory_space<hbm>> -> memref<100000x128xf32, #tpu.memory_space<hbm>>
    tpu.enqueue_indirect_dma source(%dma_start3A_58 : memref<100000x128xf32, #tpu.memory_space<hbm>>) target(%dma_start3A_53 : memref<64x128xf32, #tpu.memory_space<vmem>>) offsets(%dma_start3A_55 : memref<64xi32, #tpu.memory_space<vmem>>) semaphore(%arg20 : memref<!tpu.dma_semaphore, #tpu.memory_space<semaphore_mem>>)
    %dma_start3A_59 = arith.constant 64 : i32
    %dma_start3A_60 = arith.constant 0 : i32
    %dma_start3A_61 = tpu.memref_slice %arg14[%dma_start3A_59, %dma_start3A_60] : memref<128x128xf32, #tpu.memory_space<vmem>> -> memref<64x128xf32, #tpu.memory_space<vmem>>
    %dma_start3A_62 = arith.constant 192 : i32
    %dma_start3A_63 = tpu.memref_slice %arg8[%dma_start3A_62] : memref<6400xi32, #tpu.memory_space<vmem>> -> memref<64xi32, #tpu.memory_space<vmem>>
    %dma_start3A_64 = arith.constant 0 : i32
    %dma_start3A_65 = arith.constant 0 : i32
    %dma_start3A_66 = tpu.memref_slice %arg4[%dma_start3A_64, %dma_start3A_65] : memref<100000x128xf32, #tpu.memory_space<hbm>> -> memref<100000x128xf32, #tpu.memory_space<hbm>>
    tpu.enqueue_indirect_dma source(%dma_start3A_66 : memref<100000x128xf32, #tpu.memory_space<hbm>>) target(%dma_start3A_61 : memref<64x128xf32, #tpu.memory_space<vmem>>) offsets(%dma_start3A_63 : memref<64xi32, #tpu.memory_space<vmem>>) semaphore(%arg22 : memref<!tpu.dma_semaphore, #tpu.memory_space<semaphore_mem>>)
    %dma_start3A_67 = arith.constant 128 : i32
    %dma_start3A_68 = tpu.memref_slice %arg10[%dma_start3A_67] : memref<6400xi32, #tpu.memory_space<vmem>> -> memref<128xi32, #tpu.memory_space<vmem>>
    %dma_start3A_69 = arith.constant 0 : i32
    %dma_start3A_70 = arith.constant 0 : i32
    %dma_start3A_71 = tpu.memref_slice %arg11[%dma_start3A_69, %dma_start3A_70] : memref<512x128xf32, #tpu.memory_space<vmem_shared>> -> memref<512x128xf32, #tpu.memory_space<vmem_shared>>
    tpu.enqueue_indirect_dma source(%dma_start3A_71 : memref<512x128xf32, #tpu.memory_space<vmem_shared>>) target(%arg16 : memref<128x128xf32, #tpu.memory_space<vmem>>) offsets(%dma_start3A_68 : memref<128xi32, #tpu.memory_space<vmem>>) semaphore(%arg24 : memref<!tpu.dma_semaphore, #tpu.memory_space<semaphore_mem>>)
    %scan3A = arith.constant 0 : i32
    %scan3A_72 = arith.constant 0 : i32
    %scan3A_73 = arith.constant 25 : i32
    %scan3A_74 = arith.addi %scan3A_72, %scan3A_73 : i32
    %scan3A_75 = arith.constant 1 : i32
    scf.for %scan3A_88 = %scan3A_72 to %scan3A_74 step %scan3A_75  : i32 {
      %mul3A_89 = arith.constant 2 : i32
      %mul3A_90 = arith.muli %scan3A_88, %mul3A_89 : i32
      %add3A_91 = arith.constant 0 : i32
      %add3A_92 = arith.addi %mul3A_90, %add3A_91 : i32
      %mul3A_93 = arith.constant 128 : i32
      %mul3A_94 = arith.muli %add3A_92, %mul3A_93 : i32
      %add3A_95 = arith.constant 0 : i32
      %add3A_96 = arith.addi %mul3A_94, %add3A_95 : i32
      %dma_wait3A_97 = arith.constant 0 : i32
      %dma_wait3A_98 = arith.constant 0 : i32
      %dma_wait3A_99 = tpu.memref_slice %arg13[%dma_wait3A_97, %dma_wait3A_98] : memref<128x128xf32, #tpu.memory_space<vmem>> -> memref<64x128xf32, #tpu.memory_space<vmem>>
      %dma_wait3A_100 = tpu.memref_slice %arg8[%add3A_96] : memref<6400xi32, #tpu.memory_space<vmem>> -> memref<64xi32, #tpu.memory_space<vmem>>
      %dma_wait3A_101 = arith.constant 0 : i32
      %dma_wait3A_102 = arith.constant 0 : i32
      %dma_wait3A_103 = tpu.memref_slice %arg4[%dma_wait3A_101, %dma_wait3A_102] : memref<100000x128xf32, #tpu.memory_space<hbm>> -> memref<100000x128xf32, #tpu.memory_space<hbm>>
      tpu.wait_indirect_dma semaphore(%arg19 : memref<!tpu.dma_semaphore, #tpu.memory_space<semaphore_mem>>) src(%dma_wait3A_103 : memref<100000x128xf32, #tpu.memory_space<hbm>>) dst(%dma_wait3A_99 : memref<64x128xf32, #tpu.memory_space<vmem>>)
      %add3A_104 = arith.constant 64 : i32
      %add3A_105 = arith.addi %mul3A_94, %add3A_104 : i32
      %dma_wait3A_106 = arith.constant 64 : i32
      %dma_wait3A_107 = arith.constant 0 : i32
      %dma_wait3A_108 = tpu.memref_slice %arg13[%dma_wait3A_106, %dma_wait3A_107] : memref<128x128xf32, #tpu.memory_space<vmem>> -> memref<64x128xf32, #tpu.memory_space<vmem>>
      %dma_wait3A_109 = tpu.memref_slice %arg8[%add3A_105] : memref<6400xi32, #tpu.memory_space<vmem>> -> memref<64xi32, #tpu.memory_space<vmem>>
      %dma_wait3A_110 = arith.constant 0 : i32
      %dma_wait3A_111 = arith.constant 0 : i32
      %dma_wait3A_112 = tpu.memref_slice %arg4[%dma_wait3A_110, %dma_wait3A_111] : memref<100000x128xf32, #tpu.memory_space<hbm>> -> memref<100000x128xf32, #tpu.memory_space<hbm>>
      tpu.wait_indirect_dma semaphore(%arg21 : memref<!tpu.dma_semaphore, #tpu.memory_space<semaphore_mem>>) src(%dma_wait3A_112 : memref<100000x128xf32, #tpu.memory_space<hbm>>) dst(%dma_wait3A_108 : memref<64x128xf32, #tpu.memory_space<vmem>>)
      %dma_wait3A_113 = tpu.memref_slice %arg10[%mul3A_94] : memref<6400xi32, #tpu.memory_space<vmem>> -> memref<128xi32, #tpu.memory_space<vmem>>
      %dma_wait3A_114 = arith.constant 0 : i32
      %dma_wait3A_115 = arith.constant 0 : i32
      %dma_wait3A_116 = tpu.memref_slice %arg11[%dma_wait3A_114, %dma_wait3A_115] : memref<512x128xf32, #tpu.memory_space<vmem_shared>> -> memref<512x128xf32, #tpu.memory_space<vmem_shared>>
      tpu.wait_indirect_dma semaphore(%arg23 : memref<!tpu.dma_semaphore, #tpu.memory_space<semaphore_mem>>) src(%dma_wait3A_116 : memref<512x128xf32, #tpu.memory_space<vmem_shared>>) dst(%arg15 : memref<128x128xf32, #tpu.memory_space<vmem>>)
      %ge3A = arith.constant 1 : i32
      %ge3A_117 = arith.cmpi sge, %scan3A_88, %ge3A : i32
      %convert_element_type3A = arith.extui %ge3A_117 : i1 to i32
      %cond3A = arith.constant 0 : i32
      %cond3A_118 = arith.cmpi ne, %convert_element_type3A, %cond3A : i32
      scf.if %cond3A_118 {
        %sub3A_185 = arith.constant 2 : i32
        %sub3A_186 = arith.subi %add3A_92, %sub3A_185 : i32
        %mul3A_187 = arith.constant 128 : i32
        %mul3A_188 = arith.muli %sub3A_186, %mul3A_187 : i32
        %add3A_189 = arith.addi %mul3A_2, %mul3A_188 : i32
        %dma_wait3A_190 = arith.constant 0 : i32
        %dma_wait3A_191 = tpu.memref_slice %arg7[%add3A_189, %dma_wait3A_190] : memref<204800x128xf32, #tpu.memory_space<hbm>> -> memref<128x128xf32, #tpu.memory_space<hbm>>
        %dma_wait3A_192 = arith.constant 0 : i32
        %dma_wait3A_193 = tpu.memref_slice %arg7[%add3A_189, %dma_wait3A_192] : memref<204800x128xf32, #tpu.memory_space<hbm>> -> memref<128x128xf32, #tpu.memory_space<hbm>>
        tpu.wait_dma2 semaphore(%arg25 : memref<!tpu.dma_semaphore, #tpu.memory_space<semaphore_mem>>) src(%arg17 : memref<128x128xf32, #tpu.memory_space<vmem>>) dst(%dma_wait3A_193 : memref<128x128xf32, #tpu.memory_space<hbm>>)
      } else {
      }
      %parallel_loop3A_119 = arith.constant 0 : i32
      %parallel_loop3A_120 = arith.constant 128 : i32
      %parallel_loop3A_121 = arith.constant 1 : i32
      scf.for %parallel_loop3A_185 = %parallel_loop3A_119 to %parallel_loop3A_120 step %parallel_loop3A_121  : i32 {
        %parallel_loop3A_186 = arith.index_cast %parallel_loop3A_185 : i32 to index
        %parallel_loop3A_187 = arith.constant 0 : index
        %parallel_loop3A_188 = tpu.vector_load %arg13[%parallel_loop3A_186, %parallel_loop3A_187] {strides = array<i32>} : memref<128x128xf32, #tpu.memory_space<vmem>>, vector<1x16xf32>,
        %parallel_loop3A_189 = vector.shape_cast %parallel_loop3A_188 : vector<1x16xf32> to vector<16xf32>
        %parallel_loop3A_190 = arith.constant 11.3137083 : f32
        %parallel_loop3A_191 = vector.broadcast %parallel_loop3A_190 : f32 to vector<16xf32>
        %parallel_loop3A_192 = arith.mulf %parallel_loop3A_189, %parallel_loop3A_191 : vector<16xf32>
        %parallel_loop3A_193 = arith.index_cast %parallel_loop3A_185 : i32 to index
        %parallel_loop3A_194 = arith.constant 0 : index
        %parallel_loop3A_195 = tpu.vector_load %arg15[%parallel_loop3A_193, %parallel_loop3A_194] {strides = array<i32>} : memref<128x128xf32, #tpu.memory_space<vmem>>, vector<1x16xf32>,
        %parallel_loop3A_196 = vector.shape_cast %parallel_loop3A_195 : vector<1x16xf32> to vector<16xf32>
        %parallel_loop3A_197 = arith.addf %parallel_loop3A_192, %parallel_loop3A_196 : vector<16xf32>
        %parallel_loop3A_198 = arith.index_cast %parallel_loop3A_185 : i32 to index
        %parallel_loop3A_199 = arith.constant 0 : index
        %parallel_loop3A_200 = tpu.vector_load %arg17[%parallel_loop3A_198, %parallel_loop3A_199] {strides = array<i32>} : memref<128x128xf32, #tpu.memory_space<vmem>>, vector<1x16xf32>,
        %parallel_loop3A_201 = vector.shape_cast %parallel_loop3A_200 : vector<1x16xf32> to vector<16xf32>
        %parallel_loop3A_202 = vector.shape_cast %parallel_loop3A_197 : vector<16xf32> to vector<1x16xf32>
        tpu.vector_store %arg17[%parallel_loop3A_198, %parallel_loop3A_199], %parallel_loop3A_202 {strides = array<i32>} : memref<128x128xf32, #tpu.memory_space<vmem>>, vector<1x16xf32>,
        %parallel_loop3A_203 = arith.index_cast %parallel_loop3A_185 : i32 to index
        %parallel_loop3A_204 = arith.constant 16 : index
        %parallel_loop3A_205 = tpu.vector_load %arg13[%parallel_loop3A_203, %parallel_loop3A_204] {strides = array<i32>} : memref<128x128xf32, #tpu.memory_space<vmem>>, vector<1x16xf32>,
        %parallel_loop3A_206 = vector.shape_cast %parallel_loop3A_205 : vector<1x16xf32> to vector<16xf32>
        %parallel_loop3A_207 = arith.constant 11.3137083 : f32
        %parallel_loop3A_208 = vector.broadcast %parallel_loop3A_207 : f32 to vector<16xf32>
        %parallel_loop3A_209 = arith.mulf %parallel_loop3A_206, %parallel_loop3A_208 : vector<16xf32>
        %parallel_loop3A_210 = arith.index_cast %parallel_loop3A_185 : i32 to index
        %parallel_loop3A_211 = arith.constant 16 : index
        %parallel_loop3A_212 = tpu.vector_load %arg15[%parallel_loop3A_210, %parallel_loop3A_211] {strides = array<i32>} : memref<128x128xf32, #tpu.memory_space<vmem>>, vector<1x16xf32>,
        %parallel_loop3A_213 = vector.shape_cast %parallel_loop3A_212 : vector<1x16xf32> to vector<16xf32>
        %parallel_loop3A_214 = arith.addf %parallel_loop3A_209, %parallel_loop3A_213 : vector<16xf32>
        %parallel_loop3A_215 = arith.index_cast %parallel_loop3A_185 : i32 to index
        %parallel_loop3A_216 = arith.constant 16 : index
        %parallel_loop3A_217 = tpu.vector_load %arg17[%parallel_loop3A_215, %parallel_loop3A_216] {strides = array<i32>} : memref<128x128xf32, #tpu.memory_space<vmem>>, vector<1x16xf32>,
        %parallel_loop3A_218 = vector.shape_cast %parallel_loop3A_217 : vector<1x16xf32> to vector<16xf32>
        %parallel_loop3A_219 = vector.shape_cast %parallel_loop3A_214 : vector<16xf32> to vector<1x16xf32>
        tpu.vector_store %arg17[%parallel_loop3A_215, %parallel_loop3A_216], %parallel_loop3A_219 {strides = array<i32>} : memref<128x128xf32, #tpu.memory_space<vmem>>, vector<1x16xf32>,
        %parallel_loop3A_220 = arith.index_cast %parallel_loop3A_185 : i32 to index
        %parallel_loop3A_221 = arith.constant 32 : index
        %parallel_loop3A_222 = tpu.vector_load %arg13[%parallel_loop3A_220, %parallel_loop3A_221] {strides = array<i32>} : memref<128x128xf32, #tpu.memory_space<vmem>>, vector<1x16xf32>,
        %parallel_loop3A_223 = vector.shape_cast %parallel_loop3A_222 : vector<1x16xf32> to vector<16xf32>
        %parallel_loop3A_224 = arith.constant 11.3137083 : f32
        %parallel_loop3A_225 = vector.broadcast %parallel_loop3A_224 : f32 to vector<16xf32>
        %parallel_loop3A_226 = arith.mulf %parallel_loop3A_223, %parallel_loop3A_225 : vector<16xf32>
        %parallel_loop3A_227 = arith.index_cast %parallel_loop3A_185 : i32 to index
        %parallel_loop3A_228 = arith.constant 32 : index
        %parallel_loop3A_229 = tpu.vector_load %arg15[%parallel_loop3A_227, %parallel_loop3A_228] {strides = array<i32>} : memref<128x128xf32, #tpu.memory_space<vmem>>, vector<1x16xf32>,
        %parallel_loop3A_230 = vector.shape_cast %parallel_loop3A_229 : vector<1x16xf32> to vector<16xf32>
        %parallel_loop3A_231 = arith.addf %parallel_loop3A_226, %parallel_loop3A_230 : vector<16xf32>
        %parallel_loop3A_232 = arith.index_cast %parallel_loop3A_185 : i32 to index
        %parallel_loop3A_233 = arith.constant 32 : index
        %parallel_loop3A_234 = tpu.vector_load %arg17[%parallel_loop3A_232, %parallel_loop3A_233] {strides = array<i32>} : memref<128x128xf32, #tpu.memory_space<vmem>>, vector<1x16xf32>,
        %parallel_loop3A_235 = vector.shape_cast %parallel_loop3A_234 : vector<1x16xf32> to vector<16xf32>
        %parallel_loop3A_236 = vector.shape_cast %parallel_loop3A_231 : vector<16xf32> to vector<1x16xf32>
        tpu.vector_store %arg17[%parallel_loop3A_232, %parallel_loop3A_233], %parallel_loop3A_236 {strides = array<i32>} : memref<128x128xf32, #tpu.memory_space<vmem>>, vector<1x16xf32>,
        %parallel_loop3A_237 = arith.index_cast %parallel_loop3A_185 : i32 to index
        %parallel_loop3A_238 = arith.constant 48 : index
        %parallel_loop3A_239 = tpu.vector_load %arg13[%parallel_loop3A_237, %parallel_loop3A_238] {strides = array<i32>} : memref<128x128xf32, #tpu.memory_space<vmem>>, vector<1x16xf32>,
        %parallel_loop3A_240 = vector.shape_cast %parallel_loop3A_239 : vector<1x16xf32> to vector<16xf32>
        %parallel_loop3A_241 = arith.constant 11.3137083 : f32
        %parallel_loop3A_242 = vector.broadcast %parallel_loop3A_241 : f32 to vector<16xf32>
        %parallel_loop3A_243 = arith.mulf %parallel_loop3A_240, %parallel_loop3A_242 : vector<16xf32>
        %parallel_loop3A_244 = arith.index_cast %parallel_loop3A_185 : i32 to index
        %parallel_loop3A_245 = arith.constant 48 : index
        %parallel_loop3A_246 = tpu.vector_load %arg15[%parallel_loop3A_244, %parallel_loop3A_245] {strides = array<i32>} : memref<128x128xf32, #tpu.memory_space<vmem>>, vector<1x16xf32>,
        %parallel_loop3A_247 = vector.shape_cast %parallel_loop3A_246 : vector<1x16xf32> to vector<16xf32>
        %parallel_loop3A_248 = arith.addf %parallel_loop3A_243, %parallel_loop3A_247 : vector<16xf32>
        %parallel_loop3A_249 = arith.index_cast %parallel_loop3A_185 : i32 to index
        %parallel_loop3A_250 = arith.constant 48 : index
        %parallel_loop3A_251 = tpu.vector_load %arg17[%parallel_loop3A_249, %parallel_loop3A_250] {strides = array<i32>} : memref<128x128xf32, #tpu.memory_space<vmem>>, vector<1x16xf32>,
        %parallel_loop3A_252 = vector.shape_cast %parallel_loop3A_251 : vector<1x16xf32> to vector<16xf32>
        %parallel_loop3A_253 = vector.shape_cast %parallel_loop3A_248 : vector<16xf32> to vector<1x16xf32>
        tpu.vector_store %arg17[%parallel_loop3A_249, %parallel_loop3A_250], %parallel_loop3A_253 {strides = array<i32>} : memref<128x128xf32, #tpu.memory_space<vmem>>, vector<1x16xf32>,
        %parallel_loop3A_254 = arith.index_cast %parallel_loop3A_185 : i32 to index
        %parallel_loop3A_255 = arith.constant 64 : index
        %parallel_loop3A_256 = tpu.vector_load %arg13[%parallel_loop3A_254, %parallel_loop3A_255] {strides = array<i32>} : memref<128x128xf32, #tpu.memory_space<vmem>>, vector<1x16xf32>,
        %parallel_loop3A_257 = vector.shape_cast %parallel_loop3A_256 : vector<1x16xf32> to vector<16xf32>
        %parallel_loop3A_258 = arith.constant 11.3137083 : f32
        %parallel_loop3A_259 = vector.broadcast %parallel_loop3A_258 : f32 to vector<16xf32>
        %parallel_loop3A_260 = arith.mulf %parallel_loop3A_257, %parallel_loop3A_259 : vector<16xf32>
        %parallel_loop3A_261 = arith.index_cast %parallel_loop3A_185 : i32 to index
        %parallel_loop3A_262 = arith.constant 64 : index
        %parallel_loop3A_263 = tpu.vector_load %arg15[%parallel_loop3A_261, %parallel_loop3A_262] {strides = array<i32>} : memref<128x128xf32, #tpu.memory_space<vmem>>, vector<1x16xf32>,
        %parallel_loop3A_264 = vector.shape_cast %parallel_loop3A_263 : vector<1x16xf32> to vector<16xf32>
        %parallel_loop3A_265 = arith.addf %parallel_loop3A_260, %parallel_loop3A_264 : vector<16xf32>
        %parallel_loop3A_266 = arith.index_cast %parallel_loop3A_185 : i32 to index
        %parallel_loop3A_267 = arith.constant 64 : index
        %parallel_loop3A_268 = tpu.vector_load %arg17[%parallel_loop3A_266, %parallel_loop3A_267] {strides = array<i32>} : memref<128x128xf32, #tpu.memory_space<vmem>>, vector<1x16xf32>,
        %parallel_loop3A_269 = vector.shape_cast %parallel_loop3A_268 : vector<1x16xf32> to vector<16xf32>
        %parallel_loop3A_270 = vector.shape_cast %parallel_loop3A_265 : vector<16xf32> to vector<1x16xf32>
        tpu.vector_store %arg17[%parallel_loop3A_266, %parallel_loop3A_267], %parallel_loop3A_270 {strides = array<i32>} : memref<128x128xf32, #tpu.memory_space<vmem>>, vector<1x16xf32>,
        %parallel_loop3A_271 = arith.index_cast %parallel_loop3A_185 : i32 to index
        %parallel_loop3A_272 = arith.constant 80 : index
        %parallel_loop3A_273 = tpu.vector_load %arg13[%parallel_loop3A_271, %parallel_loop3A_272] {strides = array<i32>} : memref<128x128xf32, #tpu.memory_space<vmem>>, vector<1x16xf32>,
        %parallel_loop3A_274 = vector.shape_cast %parallel_loop3A_273 : vector<1x16xf32> to vector<16xf32>
        %parallel_loop3A_275 = arith.constant 11.3137083 : f32
        %parallel_loop3A_276 = vector.broadcast %parallel_loop3A_275 : f32 to vector<16xf32>
        %parallel_loop3A_277 = arith.mulf %parallel_loop3A_274, %parallel_loop3A_276 : vector<16xf32>
        %parallel_loop3A_278 = arith.index_cast %parallel_loop3A_185 : i32 to index
        %parallel_loop3A_279 = arith.constant 80 : index
        %parallel_loop3A_280 = tpu.vector_load %arg15[%parallel_loop3A_278, %parallel_loop3A_279] {strides = array<i32>} : memref<128x128xf32, #tpu.memory_space<vmem>>, vector<1x16xf32>,
        %parallel_loop3A_281 = vector.shape_cast %parallel_loop3A_280 : vector<1x16xf32> to vector<16xf32>
        %parallel_loop3A_282 = arith.addf %parallel_loop3A_277, %parallel_loop3A_281 : vector<16xf32>
        %parallel_loop3A_283 = arith.index_cast %parallel_loop3A_185 : i32 to index
        %parallel_loop3A_284 = arith.constant 80 : index
        %parallel_loop3A_285 = tpu.vector_load %arg17[%parallel_loop3A_283, %parallel_loop3A_284] {strides = array<i32>} : memref<128x128xf32, #tpu.memory_space<vmem>>, vector<1x16xf32>,
        %parallel_loop3A_286 = vector.shape_cast %parallel_loop3A_285 : vector<1x16xf32> to vector<16xf32>
        %parallel_loop3A_287 = vector.shape_cast %parallel_loop3A_282 : vector<16xf32> to vector<1x16xf32>
        tpu.vector_store %arg17[%parallel_loop3A_283, %parallel_loop3A_284], %parallel_loop3A_287 {strides = array<i32>} : memref<128x128xf32, #tpu.memory_space<vmem>>, vector<1x16xf32>,
        %parallel_loop3A_288 = arith.index_cast %parallel_loop3A_185 : i32 to index
        %parallel_loop3A_289 = arith.constant 96 : index
        %parallel_loop3A_290 = tpu.vector_load %arg13[%parallel_loop3A_288, %parallel_loop3A_289] {strides = array<i32>} : memref<128x128xf32, #tpu.memory_space<vmem>>, vector<1x16xf32>,
        %parallel_loop3A_291 = vector.shape_cast %parallel_loop3A_290 : vector<1x16xf32> to vector<16xf32>
        %parallel_loop3A_292 = arith.constant 11.3137083 : f32
        %parallel_loop3A_293 = vector.broadcast %parallel_loop3A_292 : f32 to vector<16xf32>
        %parallel_loop3A_294 = arith.mulf %parallel_loop3A_291, %parallel_loop3A_293 : vector<16xf32>
        %parallel_loop3A_295 = arith.index_cast %parallel_loop3A_185 : i32 to index
        %parallel_loop3A_296 = arith.constant 96 : index
        %parallel_loop3A_297 = tpu.vector_load %arg15[%parallel_loop3A_295, %parallel_loop3A_296] {strides = array<i32>} : memref<128x128xf32, #tpu.memory_space<vmem>>, vector<1x16xf32>,
        %parallel_loop3A_298 = vector.shape_cast %parallel_loop3A_297 : vector<1x16xf32> to vector<16xf32>
        %parallel_loop3A_299 = arith.addf %parallel_loop3A_294, %parallel_loop3A_298 : vector<16xf32>
        %parallel_loop3A_300 = arith.index_cast %parallel_loop3A_185 : i32 to index
        %parallel_loop3A_301 = arith.constant 96 : index
        %parallel_loop3A_302 = tpu.vector_load %arg17[%parallel_loop3A_300, %parallel_loop3A_301] {strides = array<i32>} : memref<128x128xf32, #tpu.memory_space<vmem>>, vector<1x16xf32>,
        %parallel_loop3A_303 = vector.shape_cast %parallel_loop3A_302 : vector<1x16xf32> to vector<16xf32>
        %parallel_loop3A_304 = vector.shape_cast %parallel_loop3A_299 : vector<16xf32> to vector<1x16xf32>
        tpu.vector_store %arg17[%parallel_loop3A_300, %parallel_loop3A_301], %parallel_loop3A_304 {strides = array<i32>} : memref<128x128xf32, #tpu.memory_space<vmem>>, vector<1x16xf32>,
        %parallel_loop3A_305 = arith.index_cast %parallel_loop3A_185 : i32 to index
        %parallel_loop3A_306 = arith.constant 112 : index
        %parallel_loop3A_307 = tpu.vector_load %arg13[%parallel_loop3A_305, %parallel_loop3A_306] {strides = array<i32>} : memref<128x128xf32, #tpu.memory_space<vmem>>, vector<1x16xf32>,
        %parallel_loop3A_308 = vector.shape_cast %parallel_loop3A_307 : vector<1x16xf32> to vector<16xf32>
        %parallel_loop3A_309 = arith.constant 11.3137083 : f32
        %parallel_loop3A_310 = vector.broadcast %parallel_loop3A_309 : f32 to vector<16xf32>
        %parallel_loop3A_311 = arith.mulf %parallel_loop3A_308, %parallel_loop3A_310 : vector<16xf32>
        %parallel_loop3A_312 = arith.index_cast %parallel_loop3A_185 : i32 to index
        %parallel_loop3A_313 = arith.constant 112 : index
        %parallel_loop3A_314 = tpu.vector_load %arg15[%parallel_loop3A_312, %parallel_loop3A_313] {strides = array<i32>} : memref<128x128xf32, #tpu.memory_space<vmem>>, vector<1x16xf32>,
        %parallel_loop3A_315 = vector.shape_cast %parallel_loop3A_314 : vector<1x16xf32> to vector<16xf32>
        %parallel_loop3A_316 = arith.addf %parallel_loop3A_311, %parallel_loop3A_315 : vector<16xf32>
        %parallel_loop3A_317 = arith.index_cast %parallel_loop3A_185 : i32 to index
        %parallel_loop3A_318 = arith.constant 112 : index
        %parallel_loop3A_319 = tpu.vector_load %arg17[%parallel_loop3A_317, %parallel_loop3A_318] {strides = array<i32>} : memref<128x128xf32, #tpu.memory_space<vmem>>, vector<1x16xf32>,
        %parallel_loop3A_320 = vector.shape_cast %parallel_loop3A_319 : vector<1x16xf32> to vector<16xf32>
        %parallel_loop3A_321 = vector.shape_cast %parallel_loop3A_316 : vector<16xf32> to vector<1x16xf32>
        tpu.vector_store %arg17[%parallel_loop3A_317, %parallel_loop3A_318], %parallel_loop3A_321 {strides = array<i32>} : memref<128x128xf32, #tpu.memory_space<vmem>>, vector<1x16xf32>,
      } {sc.loop_unroll_factor = 4 : i64, sc.parallel_access}
      %add3A_122 = arith.constant 2 : i32
      %add3A_123 = arith.addi %add3A_92, %add3A_122 : i32
      %lt3A = arith.constant 50 : i32
      %lt3A_124 = arith.cmpi slt, %add3A_123, %lt3A : i32
      %convert_element_type3A_125 = arith.extui %lt3A_124 : i1 to i32
      %cond3A_126 = arith.constant 0 : i32
      %cond3A_127 = arith.cmpi ne, %convert_element_type3A_125, %cond3A_126 : i32
      scf.if %cond3A_127 {
        %add3A_185 = arith.constant 2 : i32
        %add3A_186 = arith.addi %add3A_92, %add3A_185 : i32
        %mul3A_187 = arith.constant 128 : i32
        %mul3A_188 = arith.muli %add3A_186, %mul3A_187 : i32
        %add3A_189 = arith.constant 0 : i32
        %add3A_190 = arith.addi %mul3A_188, %add3A_189 : i32
        %dma_start3A_191 = arith.constant 0 : i32
        %dma_start3A_192 = arith.constant 0 : i32
        %dma_start3A_193 = tpu.memref_slice %arg13[%dma_start3A_191, %dma_start3A_192] : memref<128x128xf32, #tpu.memory_space<vmem>> -> memref<64x128xf32, #tpu.memory_space<vmem>>
        %dma_start3A_194 = tpu.memref_slice %arg8[%add3A_190] : memref<6400xi32, #tpu.memory_space<vmem>> -> memref<64xi32, #tpu.memory_space<vmem>>
        %dma_start3A_195 = arith.constant 0 : i32
        %dma_start3A_196 = arith.constant 0 : i32
        %dma_start3A_197 = tpu.memref_slice %arg4[%dma_start3A_195, %dma_start3A_196] : memref<100000x128xf32, #tpu.memory_space<hbm>> -> memref<100000x128xf32, #tpu.memory_space<hbm>>
        tpu.enqueue_indirect_dma source(%dma_start3A_197 : memref<100000x128xf32, #tpu.memory_space<hbm>>) target(%dma_start3A_193 : memref<64x128xf32, #tpu.memory_space<vmem>>) offsets(%dma_start3A_194 : memref<64xi32, #tpu.memory_space<vmem>>) semaphore(%arg19 : memref<!tpu.dma_semaphore, #tpu.memory_space<semaphore_mem>>)
        %add3A_198 = arith.constant 64 : i32
        %add3A_199 = arith.addi %mul3A_188, %add3A_198 : i32
        %dma_start3A_200 = arith.constant 64 : i32
        %dma_start3A_201 = arith.constant 0 : i32
        %dma_start3A_202 = tpu.memref_slice %arg13[%dma_start3A_200, %dma_start3A_201] : memref<128x128xf32, #tpu.memory_space<vmem>> -> memref<64x128xf32, #tpu.memory_space<vmem>>
        %dma_start3A_203 = tpu.memref_slice %arg8[%add3A_199] : memref<6400xi32, #tpu.memory_space<vmem>> -> memref<64xi32, #tpu.memory_space<vmem>>
        %dma_start3A_204 = arith.constant 0 : i32
        %dma_start3A_205 = arith.constant 0 : i32
        %dma_start3A_206 = tpu.memref_slice %arg4[%dma_start3A_204, %dma_start3A_205] : memref<100000x128xf32, #tpu.memory_space<hbm>> -> memref<100000x128xf32, #tpu.memory_space<hbm>>
        tpu.enqueue_indirect_dma source(%dma_start3A_206 : memref<100000x128xf32, #tpu.memory_space<hbm>>) target(%dma_start3A_202 : memref<64x128xf32, #tpu.memory_space<vmem>>) offsets(%dma_start3A_203 : memref<64xi32, #tpu.memory_space<vmem>>) semaphore(%arg21 : memref<!tpu.dma_semaphore, #tpu.memory_space<semaphore_mem>>)
        %dma_start3A_207 = tpu.memref_slice %arg10[%mul3A_188] : memref<6400xi32, #tpu.memory_space<vmem>> -> memref<128xi32, #tpu.memory_space<vmem>>
        %dma_start3A_208 = arith.constant 0 : i32
        %dma_start3A_209 = arith.constant 0 : i32
        %dma_start3A_210 = tpu.memref_slice %arg11[%dma_start3A_208, %dma_start3A_209] : memref<512x128xf32, #tpu.memory_space<vmem_shared>> -> memref<512x128xf32, #tpu.memory_space<vmem_shared>>
        tpu.enqueue_indirect_dma source(%dma_start3A_210 : memref<512x128xf32, #tpu.memory_space<vmem_shared>>) target(%arg15 : memref<128x128xf32, #tpu.memory_space<vmem>>) offsets(%dma_start3A_207 : memref<128xi32, #tpu.memory_space<vmem>>) semaphore(%arg23 : memref<!tpu.dma_semaphore, #tpu.memory_space<semaphore_mem>>)
      } else {
      }
      %mul3A_128 = arith.constant 128 : i32
      %mul3A_129 = arith.muli %add3A_92, %mul3A_128 : i32
      %add3A_130 = arith.addi %mul3A_2, %mul3A_129 : i32
      %dma_start3A_131 = arith.constant 0 : i32
      %dma_start3A_132 = tpu.memref_slice %arg7[%add3A_130, %dma_start3A_131] : memref<204800x128xf32, #tpu.memory_space<hbm>> -> memref<128x128xf32, #tpu.memory_space<hbm>>
      %dma_start3A_133 = arith.constant 0 : i32
      %dma_start3A_134 = tpu.memref_slice %arg7[%add3A_130, %dma_start3A_133] : memref<204800x128xf32, #tpu.memory_space<hbm>> -> memref<128x128xf32, #tpu.memory_space<hbm>>
      tpu.enqueue_dma source(%arg17 : memref<128x128xf32, #tpu.memory_space<vmem>>) target(%dma_start3A_134 : memref<128x128xf32, #tpu.memory_space<hbm>>) target_semaphore(%arg25 : memref<!tpu.dma_semaphore, #tpu.memory_space<semaphore_mem>>)
      %mul3A_135 = arith.constant 2 : i32
      %mul3A_136 = arith.muli %scan3A_88, %mul3A_135 : i32
      %add3A_137 = arith.constant 1 : i32
      %add3A_138 = arith.addi %mul3A_136, %add3A_137 : i32
      %mul3A_139 = arith.constant 128 : i32
      %mul3A_140 = arith.muli %add3A_138, %mul3A_139 : i32
      %add3A_141 = arith.constant 0 : i32
      %add3A_142 = arith.addi %mul3A_140, %add3A_141 : i32
      %dma_wait3A_143 = arith.constant 0 : i32
      %dma_wait3A_144 = arith.constant 0 : i32
      %dma_wait3A_145 = tpu.memref_slice %arg14[%dma_wait3A_143, %dma_wait3A_144] : memref<128x128xf32, #tpu.memory_space<vmem>> -> memref<64x128xf32, #tpu.memory_space<vmem>>
      %dma_wait3A_146 = tpu.memref_slice %arg8[%add3A_142] : memref<6400xi32, #tpu.memory_space<vmem>> -> memref<64xi32, #tpu.memory_space<vmem>>
      %dma_wait3A_147 = arith.constant 0 : i32
      %dma_wait3A_148 = arith.constant 0 : i32
      %dma_wait3A_149 = tpu.memref_slice %arg4[%dma_wait3A_147, %dma_wait3A_148] : memref<100000x128xf32, #tpu.memory_space<hbm>> -> memref<100000x128xf32, #tpu.memory_space<hbm>>
      tpu.wait_indirect_dma semaphore(%arg20 : memref<!tpu.dma_semaphore, #tpu.memory_space<semaphore_mem>>) src(%dma_wait3A_149 : memref<100000x128xf32, #tpu.memory_space<hbm>>) dst(%dma_wait3A_145 : memref<64x128xf32, #tpu.memory_space<vmem>>)
      %add3A_150 = arith.constant 64 : i32
      %add3A_151 = arith.addi %mul3A_140, %add3A_150 : i32
      %dma_wait3A_152 = arith.constant 64 : i32
      %dma_wait3A_153 = arith.constant 0 : i32
      %dma_wait3A_154 = tpu.memref_slice %arg14[%dma_wait3A_152, %dma_wait3A_153] : memref<128x128xf32, #tpu.memory_space<vmem>> -> memref<64x128xf32, #tpu.memory_space<vmem>>
      %dma_wait3A_155 = tpu.memref_slice %arg8[%add3A_151] : memref<6400xi32, #tpu.memory_space<vmem>> -> memref<64xi32, #tpu.memory_space<vmem>>
      %dma_wait3A_156 = arith.constant 0 : i32
      %dma_wait3A_157 = arith.constant 0 : i32
      %dma_wait3A_158 = tpu.memref_slice %arg4[%dma_wait3A_156, %dma_wait3A_157] : memref<100000x128xf32, #tpu.memory_space<hbm>> -> memref<100000x128xf32, #tpu.memory_space<hbm>>
      tpu.wait_indirect_dma semaphore(%arg22 : memref<!tpu.dma_semaphore, #tpu.memory_space<semaphore_mem>>) src(%dma_wait3A_158 : memref<100000x128xf32, #tpu.memory_space<hbm>>) dst(%dma_wait3A_154 : memref<64x128xf32, #tpu.memory_space<vmem>>)
      %dma_wait3A_159 = tpu.memref_slice %arg10[%mul3A_140] : memref<6400xi32, #tpu.memory_space<vmem>> -> memref<128xi32, #tpu.memory_space<vmem>>
      %dma_wait3A_160 = arith.constant 0 : i32
      %dma_wait3A_161 = arith.constant 0 : i32
      %dma_wait3A_162 = tpu.memref_slice %arg11[%dma_wait3A_160, %dma_wait3A_161] : memref<512x128xf32, #tpu.memory_space<vmem_shared>> -> memref<512x128xf32, #tpu.memory_space<vmem_shared>>
      tpu.wait_indirect_dma semaphore(%arg24 : memref<!tpu.dma_semaphore, #tpu.memory_space<semaphore_mem>>) src(%dma_wait3A_162 : memref<512x128xf32, #tpu.memory_space<vmem_shared>>) dst(%arg16 : memref<128x128xf32, #tpu.memory_space<vmem>>)
      %ge3A_163 = arith.constant 1 : i32
      %ge3A_164 = arith.cmpi sge, %scan3A_88, %ge3A_163 : i32
      %convert_element_type3A_165 = arith.extui %ge3A_164 : i1 to i32
      %cond3A_166 = arith.constant 0 : i32
      %cond3A_167 = arith.cmpi ne, %convert_element_type3A_165, %cond3A_166 : i32
      scf.if %cond3A_167 {
        %sub3A_185 = arith.constant 2 : i32
        %sub3A_186 = arith.subi %add3A_138, %sub3A_185 : i32
        %mul3A_187 = arith.constant 128 : i32
        %mul3A_188 = arith.muli %sub3A_186, %mul3A_187 : i32
        %add3A_189 = arith.addi %mul3A_2, %mul3A_188 : i32
        %dma_wait3A_190 = arith.constant 0 : i32
        %dma_wait3A_191 = tpu.memref_slice %arg7[%add3A_189, %dma_wait3A_190] : memref<204800x128xf32, #tpu.memory_space<hbm>> -> memref<128x128xf32, #tpu.memory_space<hbm>>
        %dma_wait3A_192 = arith.constant 0 : i32
        %dma_wait3A_193 = tpu.memref_slice %arg7[%add3A_189, %dma_wait3A_192] : memref<204800x128xf32, #tpu.memory_space<hbm>> -> memref<128x128xf32, #tpu.memory_space<hbm>>
        tpu.wait_dma2 semaphore(%arg26 : memref<!tpu.dma_semaphore, #tpu.memory_space<semaphore_mem>>) src(%arg18 : memref<128x128xf32, #tpu.memory_space<vmem>>) dst(%dma_wait3A_193 : memref<128x128xf32, #tpu.memory_space<hbm>>)
      } else {
      }
      %parallel_loop3A_168 = arith.constant 0 : i32
      %parallel_loop3A_169 = arith.constant 128 : i32
      %parallel_loop3A_170 = arith.constant 1 : i32
      scf.for %parallel_loop3A_185 = %parallel_loop3A_168 to %parallel_loop3A_169 step %parallel_loop3A_170  : i32 {
        %parallel_loop3A_186 = arith.index_cast %parallel_loop3A_185 : i32 to index
        %parallel_loop3A_187 = arith.constant 0 : index
        %parallel_loop3A_188 = tpu.vector_load %arg14[%parallel_loop3A_186, %parallel_loop3A_187] {strides = array<i32>} : memref<128x128xf32, #tpu.memory_space<vmem>>, vector<1x16xf32>,
        %parallel_loop3A_189 = vector.shape_cast %parallel_loop3A_188 : vector<1x16xf32> to vector<16xf32>
        %parallel_loop3A_190 = arith.constant 11.3137083 : f32
        %parallel_loop3A_191 = vector.broadcast %parallel_loop3A_190 : f32 to vector<16xf32>
        %parallel_loop3A_192 = arith.mulf %parallel_loop3A_189, %parallel_loop3A_191 : vector<16xf32>
        %parallel_loop3A_193 = arith.index_cast %parallel_loop3A_185 : i32 to index
        %parallel_loop3A_194 = arith.constant 0 : index
        %parallel_loop3A_195 = tpu.vector_load %arg16[%parallel_loop3A_193, %parallel_loop3A_194] {strides = array<i32>} : memref<128x128xf32, #tpu.memory_space<vmem>>, vector<1x16xf32>,
        %parallel_loop3A_196 = vector.shape_cast %parallel_loop3A_195 : vector<1x16xf32> to vector<16xf32>
        %parallel_loop3A_197 = arith.addf %parallel_loop3A_192, %parallel_loop3A_196 : vector<16xf32>
        %parallel_loop3A_198 = arith.index_cast %parallel_loop3A_185 : i32 to index
        %parallel_loop3A_199 = arith.constant 0 : index
        %parallel_loop3A_200 = tpu.vector_load %arg18[%parallel_loop3A_198, %parallel_loop3A_199] {strides = array<i32>} : memref<128x128xf32, #tpu.memory_space<vmem>>, vector<1x16xf32>,
        %parallel_loop3A_201 = vector.shape_cast %parallel_loop3A_200 : vector<1x16xf32> to vector<16xf32>
        %parallel_loop3A_202 = vector.shape_cast %parallel_loop3A_197 : vector<16xf32> to vector<1x16xf32>
        tpu.vector_store %arg18[%parallel_loop3A_198, %parallel_loop3A_199], %parallel_loop3A_202 {strides = array<i32>} : memref<128x128xf32, #tpu.memory_space<vmem>>, vector<1x16xf32>,
        %parallel_loop3A_203 = arith.index_cast %parallel_loop3A_185 : i32 to index
        %parallel_loop3A_204 = arith.constant 16 : index
        %parallel_loop3A_205 = tpu.vector_load %arg14[%parallel_loop3A_203, %parallel_loop3A_204] {strides = array<i32>} : memref<128x128xf32, #tpu.memory_space<vmem>>, vector<1x16xf32>,
        %parallel_loop3A_206 = vector.shape_cast %parallel_loop3A_205 : vector<1x16xf32> to vector<16xf32>
        %parallel_loop3A_207 = arith.constant 11.3137083 : f32
        %parallel_loop3A_208 = vector.broadcast %parallel_loop3A_207 : f32 to vector<16xf32>
        %parallel_loop3A_209 = arith.mulf %parallel_loop3A_206, %parallel_loop3A_208 : vector<16xf32>
        %parallel_loop3A_210 = arith.index_cast %parallel_loop3A_185 : i32 to index
        %parallel_loop3A_211 = arith.constant 16 : index
        %parallel_loop3A_212 = tpu.vector_load %arg16[%parallel_loop3A_210, %parallel_loop3A_211] {strides = array<i32>} : memref<128x128xf32, #tpu.memory_space<vmem>>, vector<1x16xf32>,
        %parallel_loop3A_213 = vector.shape_cast %parallel_loop3A_212 : vector<1x16xf32> to vector<16xf32>
        %parallel_loop3A_214 = arith.addf %parallel_loop3A_209, %parallel_loop3A_213 : vector<16xf32>
        %parallel_loop3A_215 = arith.index_cast %parallel_loop3A_185 : i32 to index
        %parallel_loop3A_216 = arith.constant 16 : index
        %parallel_loop3A_217 = tpu.vector_load %arg18[%parallel_loop3A_215, %parallel_loop3A_216] {strides = array<i32>} : memref<128x128xf32, #tpu.memory_space<vmem>>, vector<1x16xf32>,
        %parallel_loop3A_218 = vector.shape_cast %parallel_loop3A_217 : vector<1x16xf32> to vector<16xf32>
        %parallel_loop3A_219 = vector.shape_cast %parallel_loop3A_214 : vector<16xf32> to vector<1x16xf32>
        tpu.vector_store %arg18[%parallel_loop3A_215, %parallel_loop3A_216], %parallel_loop3A_219 {strides = array<i32>} : memref<128x128xf32, #tpu.memory_space<vmem>>, vector<1x16xf32>,
        %parallel_loop3A_220 = arith.index_cast %parallel_loop3A_185 : i32 to index
        %parallel_loop3A_221 = arith.constant 32 : index
        %parallel_loop3A_222 = tpu.vector_load %arg14[%parallel_loop3A_220, %parallel_loop3A_221] {strides = array<i32>} : memref<128x128xf32, #tpu.memory_space<vmem>>, vector<1x16xf32>,
        %parallel_loop3A_223 = vector.shape_cast %parallel_loop3A_222 : vector<1x16xf32> to vector<16xf32>
        %parallel_loop3A_224 = arith.constant 11.3137083 : f32
        %parallel_loop3A_225 = vector.broadcast %parallel_loop3A_224 : f32 to vector<16xf32>
        %parallel_loop3A_226 = arith.mulf %parallel_loop3A_223, %parallel_loop3A_225 : vector<16xf32>
        %parallel_loop3A_227 = arith.index_cast %parallel_loop3A_185 : i32 to index
        %parallel_loop3A_228 = arith.constant 32 : index
        %parallel_loop3A_229 = tpu.vector_load %arg16[%parallel_loop3A_227, %parallel_loop3A_228] {strides = array<i32>} : memref<128x128xf32, #tpu.memory_space<vmem>>, vector<1x16xf32>,
        %parallel_loop3A_230 = vector.shape_cast %parallel_loop3A_229 : vector<1x16xf32> to vector<16xf32>
        %parallel_loop3A_231 = arith.addf %parallel_loop3A_226, %parallel_loop3A_230 : vector<16xf32>
        %parallel_loop3A_232 = arith.index_cast %parallel_loop3A_185 : i32 to index
        %parallel_loop3A_233 = arith.constant 32 : index
        %parallel_loop3A_234 = tpu.vector_load %arg18[%parallel_loop3A_232, %parallel_loop3A_233] {strides = array<i32>} : memref<128x128xf32, #tpu.memory_space<vmem>>, vector<1x16xf32>,
        %parallel_loop3A_235 = vector.shape_cast %parallel_loop3A_234 : vector<1x16xf32> to vector<16xf32>
        %parallel_loop3A_236 = vector.shape_cast %parallel_loop3A_231 : vector<16xf32> to vector<1x16xf32>
        tpu.vector_store %arg18[%parallel_loop3A_232, %parallel_loop3A_233], %parallel_loop3A_236 {strides = array<i32>} : memref<128x128xf32, #tpu.memory_space<vmem>>, vector<1x16xf32>,
        %parallel_loop3A_237 = arith.index_cast %parallel_loop3A_185 : i32 to index
        %parallel_loop3A_238 = arith.constant 48 : index
        %parallel_loop3A_239 = tpu.vector_load %arg14[%parallel_loop3A_237, %parallel_loop3A_238] {strides = array<i32>} : memref<128x128xf32, #tpu.memory_space<vmem>>, vector<1x16xf32>,
        %parallel_loop3A_240 = vector.shape_cast %parallel_loop3A_239 : vector<1x16xf32> to vector<16xf32>
        %parallel_loop3A_241 = arith.constant 11.3137083 : f32
        %parallel_loop3A_242 = vector.broadcast %parallel_loop3A_241 : f32 to vector<16xf32>
        %parallel_loop3A_243 = arith.mulf %parallel_loop3A_240, %parallel_loop3A_242 : vector<16xf32>
        %parallel_loop3A_244 = arith.index_cast %parallel_loop3A_185 : i32 to index
        %parallel_loop3A_245 = arith.constant 48 : index
        %parallel_loop3A_246 = tpu.vector_load %arg16[%parallel_loop3A_244, %parallel_loop3A_245] {strides = array<i32>} : memref<128x128xf32, #tpu.memory_space<vmem>>, vector<1x16xf32>,
        %parallel_loop3A_247 = vector.shape_cast %parallel_loop3A_246 : vector<1x16xf32> to vector<16xf32>
        %parallel_loop3A_248 = arith.addf %parallel_loop3A_243, %parallel_loop3A_247 : vector<16xf32>
        %parallel_loop3A_249 = arith.index_cast %parallel_loop3A_185 : i32 to index
        %parallel_loop3A_250 = arith.constant 48 : index
        %parallel_loop3A_251 = tpu.vector_load %arg18[%parallel_loop3A_249, %parallel_loop3A_250] {strides = array<i32>} : memref<128x128xf32, #tpu.memory_space<vmem>>, vector<1x16xf32>,
        %parallel_loop3A_252 = vector.shape_cast %parallel_loop3A_251 : vector<1x16xf32> to vector<16xf32>
        %parallel_loop3A_253 = vector.shape_cast %parallel_loop3A_248 : vector<16xf32> to vector<1x16xf32>
        tpu.vector_store %arg18[%parallel_loop3A_249, %parallel_loop3A_250], %parallel_loop3A_253 {strides = array<i32>} : memref<128x128xf32, #tpu.memory_space<vmem>>, vector<1x16xf32>,
        %parallel_loop3A_254 = arith.index_cast %parallel_loop3A_185 : i32 to index
        %parallel_loop3A_255 = arith.constant 64 : index
        %parallel_loop3A_256 = tpu.vector_load %arg14[%parallel_loop3A_254, %parallel_loop3A_255] {strides = array<i32>} : memref<128x128xf32, #tpu.memory_space<vmem>>, vector<1x16xf32>,
        %parallel_loop3A_257 = vector.shape_cast %parallel_loop3A_256 : vector<1x16xf32> to vector<16xf32>
        %parallel_loop3A_258 = arith.constant 11.3137083 : f32
        %parallel_loop3A_259 = vector.broadcast %parallel_loop3A_258 : f32 to vector<16xf32>
        %parallel_loop3A_260 = arith.mulf %parallel_loop3A_257, %parallel_loop3A_259 : vector<16xf32>
        %parallel_loop3A_261 = arith.index_cast %parallel_loop3A_185 : i32 to index
        %parallel_loop3A_262 = arith.constant 64 : index
        %parallel_loop3A_263 = tpu.vector_load %arg16[%parallel_loop3A_261, %parallel_loop3A_262] {strides = array<i32>} : memref<128x128xf32, #tpu.memory_space<vmem>>, vector<1x16xf32>,
        %parallel_loop3A_264 = vector.shape_cast %parallel_loop3A_263 : vector<1x16xf32> to vector<16xf32>
        %parallel_loop3A_265 = arith.addf %parallel_loop3A_260, %parallel_loop3A_264 : vector<16xf32>
        %parallel_loop3A_266 = arith.index_cast %parallel_loop3A_185 : i32 to index
        %parallel_loop3A_267 = arith.constant 64 : index
        %parallel_loop3A_268 = tpu.vector_load %arg18[%parallel_loop3A_266, %parallel_loop3A_267] {strides = array<i32>} : memref<128x128xf32, #tpu.memory_space<vmem>>, vector<1x16xf32>,
        %parallel_loop3A_269 = vector.shape_cast %parallel_loop3A_268 : vector<1x16xf32> to vector<16xf32>
        %parallel_loop3A_270 = vector.shape_cast %parallel_loop3A_265 : vector<16xf32> to vector<1x16xf32>
        tpu.vector_store %arg18[%parallel_loop3A_266, %parallel_loop3A_267], %parallel_loop3A_270 {strides = array<i32>} : memref<128x128xf32, #tpu.memory_space<vmem>>, vector<1x16xf32>,
        %parallel_loop3A_271 = arith.index_cast %parallel_loop3A_185 : i32 to index
        %parallel_loop3A_272 = arith.constant 80 : index
        %parallel_loop3A_273 = tpu.vector_load %arg14[%parallel_loop3A_271, %parallel_loop3A_272] {strides = array<i32>} : memref<128x128xf32, #tpu.memory_space<vmem>>, vector<1x16xf32>,
        %parallel_loop3A_274 = vector.shape_cast %parallel_loop3A_273 : vector<1x16xf32> to vector<16xf32>
        %parallel_loop3A_275 = arith.constant 11.3137083 : f32
        %parallel_loop3A_276 = vector.broadcast %parallel_loop3A_275 : f32 to vector<16xf32>
        %parallel_loop3A_277 = arith.mulf %parallel_loop3A_274, %parallel_loop3A_276 : vector<16xf32>
        %parallel_loop3A_278 = arith.index_cast %parallel_loop3A_185 : i32 to index
        %parallel_loop3A_279 = arith.constant 80 : index
        %parallel_loop3A_280 = tpu.vector_load %arg16[%parallel_loop3A_278, %parallel_loop3A_279] {strides = array<i32>} : memref<128x128xf32, #tpu.memory_space<vmem>>, vector<1x16xf32>,
        %parallel_loop3A_281 = vector.shape_cast %parallel_loop3A_280 : vector<1x16xf32> to vector<16xf32>
        %parallel_loop3A_282 = arith.addf %parallel_loop3A_277, %parallel_loop3A_281 : vector<16xf32>
        %parallel_loop3A_283 = arith.index_cast %parallel_loop3A_185 : i32 to index
        %parallel_loop3A_284 = arith.constant 80 : index
        %parallel_loop3A_285 = tpu.vector_load %arg18[%parallel_loop3A_283, %parallel_loop3A_284] {strides = array<i32>} : memref<128x128xf32, #tpu.memory_space<vmem>>, vector<1x16xf32>,
        %parallel_loop3A_286 = vector.shape_cast %parallel_loop3A_285 : vector<1x16xf32> to vector<16xf32>
        %parallel_loop3A_287 = vector.shape_cast %parallel_loop3A_282 : vector<16xf32> to vector<1x16xf32>
        tpu.vector_store %arg18[%parallel_loop3A_283, %parallel_loop3A_284], %parallel_loop3A_287 {strides = array<i32>} : memref<128x128xf32, #tpu.memory_space<vmem>>, vector<1x16xf32>,
        %parallel_loop3A_288 = arith.index_cast %parallel_loop3A_185 : i32 to index
        %parallel_loop3A_289 = arith.constant 96 : index
        %parallel_loop3A_290 = tpu.vector_load %arg14[%parallel_loop3A_288, %parallel_loop3A_289] {strides = array<i32>} : memref<128x128xf32, #tpu.memory_space<vmem>>, vector<1x16xf32>,
        %parallel_loop3A_291 = vector.shape_cast %parallel_loop3A_290 : vector<1x16xf32> to vector<16xf32>
        %parallel_loop3A_292 = arith.constant 11.3137083 : f32
        %parallel_loop3A_293 = vector.broadcast %parallel_loop3A_292 : f32 to vector<16xf32>
        %parallel_loop3A_294 = arith.mulf %parallel_loop3A_291, %parallel_loop3A_293 : vector<16xf32>
        %parallel_loop3A_295 = arith.index_cast %parallel_loop3A_185 : i32 to index
        %parallel_loop3A_296 = arith.constant 96 : index
        %parallel_loop3A_297 = tpu.vector_load %arg16[%parallel_loop3A_295, %parallel_loop3A_296] {strides = array<i32>} : memref<128x128xf32, #tpu.memory_space<vmem>>, vector<1x16xf32>,
        %parallel_loop3A_298 = vector.shape_cast %parallel_loop3A_297 : vector<1x16xf32> to vector<16xf32>
        %parallel_loop3A_299 = arith.addf %parallel_loop3A_294, %parallel_loop3A_298 : vector<16xf32>
        %parallel_loop3A_300 = arith.index_cast %parallel_loop3A_185 : i32 to index
        %parallel_loop3A_301 = arith.constant 96 : index
        %parallel_loop3A_302 = tpu.vector_load %arg18[%parallel_loop3A_300, %parallel_loop3A_301] {strides = array<i32>} : memref<128x128xf32, #tpu.memory_space<vmem>>, vector<1x16xf32>,
        %parallel_loop3A_303 = vector.shape_cast %parallel_loop3A_302 : vector<1x16xf32> to vector<16xf32>
        %parallel_loop3A_304 = vector.shape_cast %parallel_loop3A_299 : vector<16xf32> to vector<1x16xf32>
        tpu.vector_store %arg18[%parallel_loop3A_300, %parallel_loop3A_301], %parallel_loop3A_304 {strides = array<i32>} : memref<128x128xf32, #tpu.memory_space<vmem>>, vector<1x16xf32>,
        %parallel_loop3A_305 = arith.index_cast %parallel_loop3A_185 : i32 to index
        %parallel_loop3A_306 = arith.constant 112 : index
        %parallel_loop3A_307 = tpu.vector_load %arg14[%parallel_loop3A_305, %parallel_loop3A_306] {strides = array<i32>} : memref<128x128xf32, #tpu.memory_space<vmem>>, vector<1x16xf32>,
        %parallel_loop3A_308 = vector.shape_cast %parallel_loop3A_307 : vector<1x16xf32> to vector<16xf32>
        %parallel_loop3A_309 = arith.constant 11.3137083 : f32
        %parallel_loop3A_310 = vector.broadcast %parallel_loop3A_309 : f32 to vector<16xf32>
        %parallel_loop3A_311 = arith.mulf %parallel_loop3A_308, %parallel_loop3A_310 : vector<16xf32>
        %parallel_loop3A_312 = arith.index_cast %parallel_loop3A_185 : i32 to index
        %parallel_loop3A_313 = arith.constant 112 : index
        %parallel_loop3A_314 = tpu.vector_load %arg16[%parallel_loop3A_312, %parallel_loop3A_313] {strides = array<i32>} : memref<128x128xf32, #tpu.memory_space<vmem>>, vector<1x16xf32>,
        %parallel_loop3A_315 = vector.shape_cast %parallel_loop3A_314 : vector<1x16xf32> to vector<16xf32>
        %parallel_loop3A_316 = arith.addf %parallel_loop3A_311, %parallel_loop3A_315 : vector<16xf32>
        %parallel_loop3A_317 = arith.index_cast %parallel_loop3A_185 : i32 to index
        %parallel_loop3A_318 = arith.constant 112 : index
        %parallel_loop3A_319 = tpu.vector_load %arg18[%parallel_loop3A_317, %parallel_loop3A_318] {strides = array<i32>} : memref<128x128xf32, #tpu.memory_space<vmem>>, vector<1x16xf32>,
        %parallel_loop3A_320 = vector.shape_cast %parallel_loop3A_319 : vector<1x16xf32> to vector<16xf32>
        %parallel_loop3A_321 = vector.shape_cast %parallel_loop3A_316 : vector<16xf32> to vector<1x16xf32>
        tpu.vector_store %arg18[%parallel_loop3A_317, %parallel_loop3A_318], %parallel_loop3A_321 {strides = array<i32>} : memref<128x128xf32, #tpu.memory_space<vmem>>, vector<1x16xf32>,
      } {sc.loop_unroll_factor = 4 : i64, sc.parallel_access}
      %add3A_171 = arith.constant 2 : i32
      %add3A_172 = arith.addi %add3A_138, %add3A_171 : i32
      %lt3A_173 = arith.constant 50 : i32
      %lt3A_174 = arith.cmpi slt, %add3A_172, %lt3A_173 : i32
      %convert_element_type3A_175 = arith.extui %lt3A_174 : i1 to i32
      %cond3A_176 = arith.constant 0 : i32
      %cond3A_177 = arith.cmpi ne, %convert_element_type3A_175, %cond3A_176 : i32
      scf.if %cond3A_177 {
        %add3A_185 = arith.constant 2 : i32
        %add3A_186 = arith.addi %add3A_138, %add3A_185 : i32
        %mul3A_187 = arith.constant 128 : i32
        %mul3A_188 = arith.muli %add3A_186, %mul3A_187 : i32
        %add3A_189 = arith.constant 0 : i32
        %add3A_190 = arith.addi %mul3A_188, %add3A_189 : i32
        %dma_start3A_191 = arith.constant 0 : i32
        %dma_start3A_192 = arith.constant 0 : i32
        %dma_start3A_193 = tpu.memref_slice %arg14[%dma_start3A_191, %dma_start3A_192] : memref<128x128xf32, #tpu.memory_space<vmem>> -> memref<64x128xf32, #tpu.memory_space<vmem>>
        %dma_start3A_194 = tpu.memref_slice %arg8[%add3A_190] : memref<6400xi32, #tpu.memory_space<vmem>> -> memref<64xi32, #tpu.memory_space<vmem>>
        %dma_start3A_195 = arith.constant 0 : i32
        %dma_start3A_196 = arith.constant 0 : i32
        %dma_start3A_197 = tpu.memref_slice %arg4[%dma_start3A_195, %dma_start3A_196] : memref<100000x128xf32, #tpu.memory_space<hbm>> -> memref<100000x128xf32, #tpu.memory_space<hbm>>
        tpu.enqueue_indirect_dma source(%dma_start3A_197 : memref<100000x128xf32, #tpu.memory_space<hbm>>) target(%dma_start3A_193 : memref<64x128xf32, #tpu.memory_space<vmem>>) offsets(%dma_start3A_194 : memref<64xi32, #tpu.memory_space<vmem>>) semaphore(%arg20 : memref<!tpu.dma_semaphore, #tpu.memory_space<semaphore_mem>>)
        %add3A_198 = arith.constant 64 : i32
        %add3A_199 = arith.addi %mul3A_188, %add3A_198 : i32
        %dma_start3A_200 = arith.constant 64 : i32
        %dma_start3A_201 = arith.constant 0 : i32
        %dma_start3A_202 = tpu.memref_slice %arg14[%dma_start3A_200, %dma_start3A_201] : memref<128x128xf32, #tpu.memory_space<vmem>> -> memref<64x128xf32, #tpu.memory_space<vmem>>
        %dma_start3A_203 = tpu.memref_slice %arg8[%add3A_199] : memref<6400xi32, #tpu.memory_space<vmem>> -> memref<64xi32, #tpu.memory_space<vmem>>
        %dma_start3A_204 = arith.constant 0 : i32
        %dma_start3A_205 = arith.constant 0 : i32
        %dma_start3A_206 = tpu.memref_slice %arg4[%dma_start3A_204, %dma_start3A_205] : memref<100000x128xf32, #tpu.memory_space<hbm>> -> memref<100000x128xf32, #tpu.memory_space<hbm>>
        tpu.enqueue_indirect_dma source(%dma_start3A_206 : memref<100000x128xf32, #tpu.memory_space<hbm>>) target(%dma_start3A_202 : memref<64x128xf32, #tpu.memory_space<vmem>>) offsets(%dma_start3A_203 : memref<64xi32, #tpu.memory_space<vmem>>) semaphore(%arg22 : memref<!tpu.dma_semaphore, #tpu.memory_space<semaphore_mem>>)
        %dma_start3A_207 = tpu.memref_slice %arg10[%mul3A_188] : memref<6400xi32, #tpu.memory_space<vmem>> -> memref<128xi32, #tpu.memory_space<vmem>>
        %dma_start3A_208 = arith.constant 0 : i32
        %dma_start3A_209 = arith.constant 0 : i32
        %dma_start3A_210 = tpu.memref_slice %arg11[%dma_start3A_208, %dma_start3A_209] : memref<512x128xf32, #tpu.memory_space<vmem_shared>> -> memref<512x128xf32, #tpu.memory_space<vmem_shared>>
        tpu.enqueue_indirect_dma source(%dma_start3A_210 : memref<512x128xf32, #tpu.memory_space<vmem_shared>>) target(%arg16 : memref<128x128xf32, #tpu.memory_space<vmem>>) offsets(%dma_start3A_207 : memref<128xi32, #tpu.memory_space<vmem>>) semaphore(%arg24 : memref<!tpu.dma_semaphore, #tpu.memory_space<semaphore_mem>>)
      } else {
      }
      %mul3A_178 = arith.constant 128 : i32
      %mul3A_179 = arith.muli %add3A_138, %mul3A_178 : i32
      %add3A_180 = arith.addi %mul3A_2, %mul3A_179 : i32
      %dma_start3A_181 = arith.constant 0 : i32
      %dma_start3A_182 = tpu.memref_slice %arg7[%add3A_180, %dma_start3A_181] : memref<204800x128xf32, #tpu.memory_space<hbm>> -> memref<128x128xf32, #tpu.memory_space<hbm>>
      %dma_start3A_183 = arith.constant 0 : i32
      %dma_start3A_184 = tpu.memref_slice %arg7[%add3A_180, %dma_start3A_183] : memref<204800x128xf32, #tpu.memory_space<hbm>> -> memref<128x128xf32, #tpu.memory_space<hbm>>
      tpu.enqueue_dma source(%arg18 : memref<128x128xf32, #tpu.memory_space<vmem>>) target(%dma_start3A_184 : memref<128x128xf32, #tpu.memory_space<hbm>>) target_semaphore(%arg26 : memref<!tpu.dma_semaphore, #tpu.memory_space<semaphore_mem>>)
    }
    %scan3A_76 = arith.constant 25 : i32
    %add3A_77 = arith.constant 6144 : i32
    %add3A_78 = arith.addi %mul3A_2, %add3A_77 : i32
    %dma_wait3A = arith.constant 0 : i32
    %dma_wait3A_79 = tpu.memref_slice %arg7[%add3A_78, %dma_wait3A] : memref<204800x128xf32, #tpu.memory_space<hbm>> -> memref<128x128xf32, #tpu.memory_space<hbm>>
    %dma_wait3A_80 = arith.constant 0 : i32
    %dma_wait3A_81 = tpu.memref_slice %arg7[%add3A_78, %dma_wait3A_80] : memref<204800x128xf32, #tpu.memory_space<hbm>> -> memref<128x128xf32, #tpu.memory_space<hbm>>
    tpu.wait_dma2 semaphore(%arg25 : memref<!tpu.dma_semaphore, #tpu.memory_space<semaphore_mem>>) src(%arg17 : memref<128x128xf32, #tpu.memory_space<vmem>>) dst(%dma_wait3A_81 : memref<128x128xf32, #tpu.memory_space<hbm>>)
    %add3A_82 = arith.constant 6272 : i32
    %add3A_83 = arith.addi %mul3A_2, %add3A_82 : i32
    %dma_wait3A_84 = arith.constant 0 : i32
    %dma_wait3A_85 = tpu.memref_slice %arg7[%add3A_83, %dma_wait3A_84] : memref<204800x128xf32, #tpu.memory_space<hbm>> -> memref<128x128xf32, #tpu.memory_space<hbm>>
    %dma_wait3A_86 = arith.constant 0 : i32
    %dma_wait3A_87 = tpu.memref_slice %arg7[%add3A_83, %dma_wait3A_86] : memref<204800x128xf32, #tpu.memory_space<hbm>> -> memref<128x128xf32, #tpu.memory_space<hbm>>
    tpu.wait_dma2 semaphore(%arg26 : memref<!tpu.dma_semaphore, #tpu.memory_space<semaphore_mem>>) src(%arg18 : memref<128x128xf32, #tpu.memory_space<vmem>>) dst(%dma_wait3A_87 : memref<128x128xf32, #tpu.memory_space<hbm>>)
    return
  }
}

</mosaic_0001>

<sc_bundles>
// kernel: kernel.3.cloned.1.call-start
scs
__scs_entry_jumppad:
0x0: {  	(pc) =	sbr.rel $0x88, $3  }
0x1: {  	(tag) =	ssettag $0x0;
	lr =	simm.s32 $0x1  }
0x2: {  	[smem:$0x3F9D] =	sst lr;
	_ =	strace $0xD0000000  }
0x3: {  	_ = 	snop  }
0x4: {  	_ = 	snop  }
0x5: {  	_ = 	snop  }
0x6: {  	_ = 	snop  }
0x7: {  	_ = 	snop  }
__scs_overlays_trampoline_lowered:
0x8: {  	[smem:$0x3FAC] =	sst s0  }
0x9: {  	[smem:$0x3FAD] =	sst s1  }
0xa: {  	[smem:$0x3FAE] =	sst s2  }
0xb: {  	[smem:$0x3FAF] =	sst s3  }
0xc: {  	[smem:$0x3FB0] =	sst s4  }
0xd: {  	[smem:$0x3FB1] =	sst s5  }
0xe: {  	[smem:$0x3FB2] =	sst s6  }
0xf: {  	[smem:$0x3FB3] =	sst s7  }
0x10: {  	[smem:$0x3FB4] =	sst s8  }
0x11: {  	[smem:$0x3FB5] =	sst s9;
	s0 =	simm.s32 @!p0 $0x0  }
0x12: {  	s1 =	sld [smem:$0x3F9B];
	s0 =	simm.s32 @p0 $0x1  }
0x13: {  	[smem:$0x3FB6] =	sst s0;
	s0 =	simm.s32 @!p1 $0x0  }
0x14: {  	s2 =	sld [smem:$0x3F9A];
	s0 =	simm.s32 @p1 $0x1  }
0x15: {  	[smem:$0x3FB7] =	sst s0;
	s0 =	simm.s32 @!p2 $0x0  }
0x16: {  	s3 =	sld [smem:$0x3FDB];
	s0 =	simm.s32 @p2 $0x1  }
0x17: {  	s4 =	simm.s32 $0x1BF5;
	[smem:$0x3FB9] =	sst s0  }
0x18: {  	s0 =	sld [smem:$0x3F9C];
	_ =	swait.ge [sflag:s4], $0x0  }
0x19: {  	s7 =	sld [smem:$0x3F9D]  }
0x1a: {  	s8 =	sadd.s32 $0xFFFFE003, lr  }
0x1b: {  	s9 =	sadd.s32 $0xFFFFFEF7, lr;
	s5 =	simm.s32 $0xFFFFFFFF;
	p2 =	slt.u32 s8, $0xFFFFF086  }
0x1c: {  	p1 =	slt.u32 s9, $0xF7A;
	s5 =	simm.s32 @!p2 $0x0  }
0x1d: {  	s5 =	simm.s32 @p1 $0x1;
	p0 =	seq.s32 s7, s2  }
0x1e: {  	s7 =	smul.u32 @!p0 $0xF7A, s2;
	p2 =	seq.s32 @!p0 s5, $0x0  }
0x1f: {  	s9 =	smul.u32 $0xF7A, s1;
	s8 =	simm.s32 @!p0 $0x1BF5;
	p2 =	por !p2, p0  }
0x20: {  	[sflag:s8] =	ssyncset.s32 @!p0 $0xFFFFF086;
	s6 =	sadd.s32 @!p0 s3, s7;
	s7 =	simm.s32 @!p0 $0x108  }
0x21: {  	s3 =	sadd.s32 s3, s9;
	s6 =	sadd.s32 @!p0 $0x88, s6;
	s7 =	simm.s32 @p2 $0x1082  }
0x22: {  	[simem:s7], [sflag:s8] =	dma.local @!p0 [hbm:s6], $0xF7A  }
0x23: {  	s9 =	sor.u32 $0xD0000000, s2;
	s6 =	simm.s32 $0x108;
	_ =	swait.ge @!p0 [sflag:s8], $0x0  }
0x24: {  	s3 =	sadd.s32 $0x88, s3;
	s6 =	simm.s32 @!p1 $0x1082;
	[sflag:s4] =	ssyncset.s32 $0xFFFFF086  }
0x25: {  	[simem:s6], [sflag:s4] =	dma.local [hbm:s3], $0xF7A  }
0x26: {  	[smem:$0x3F9D] =	sst s1;
	(tag) =	ssettag s2;
	_ =	strace s9  }
0x27: {  	s1 =	sld [smem:$0x3FAD]  }
0x28: {  	s2 =	sld [smem:$0x3FAE]  }
0x29: {  	s4 =	sld [smem:$0x3FB0]  }
0x2a: {  	p0 =	seq.s32 s5, $0x0;
	s5 =	sld [smem:$0x3FB1]  }
0x2b: {  	s6 =	sld [smem:$0x3FB2]  }
0x2c: {  	s7 =	sld [smem:$0x3FB3]  }
0x2d: {  	s3 =	simm.s32 $0x108;
	s8 =	sld [smem:$0x3FB4]  }
0x2e: {  	s3 =	simm.s32 @!p0 $0x1082;
	s9 =	sld [smem:$0x3FB5]  }
0x2f: {  	lr =	sadd.s32 s0, s3;
	s0 =	sld [smem:$0x3FAC]  }
0x30: {  	s3 =	sld [smem:$0x3FAF]  }
0x31: {  	[smem:$0x3FB8] =	sst s10  }
0x32: {  	s10 =	sld [smem:$0x3FB6];
	_ =	sdelay $0x3  }
0x33: {  	p0 =	seq.s32 s10, $0x1;
	s10 =	sld [smem:$0x3FB8];
	_ =	sdelay $0x3  }
0x34: {  	[smem:$0x3FB8] =	sst s10  }
0x35: {  	s10 =	sld [smem:$0x3FB7];
	_ =	sdelay $0x3  }
0x36: {  	p1 =	seq.s32 s10, $0x1;
	s10 =	sld [smem:$0x3FB8];
	_ =	sdelay $0x3  }
0x37: {  	[smem:$0x3FB8] =	sst s10  }
0x38: {  	s10 =	sld [smem:$0x3FB9]  }
0x39: {  	_ = 	snop;
	(pc) =	sbr.ind lr, $3  }
0x3a: {  	_ = 	snop  }
0x3b: {  	_ = 	snop  }
0x3c: {  	p2 =	seq.s32 s10, $0x1;
	s10 =	sld [smem:$0x3FB8]  }
0x3d: {  	_ =	shalt  }
0x3e: {  	_ =	shalt  }
0x3f: {  	_ =	shalt  }
0x40: {  	_ =	shalt  }
0x41: {  	_ =	shalt  }
0x42: {  	_ =	shalt  }
0x43: {  	_ =	shalt  }
0x44: {  	_ =	shalt  }
0x45: {  	_ =	shalt  }
0x46: {  	_ =	shalt  }
0x47: {  	_ =	shalt  }
0x48: {  	_ =	shalt  }
0x49: {  	_ =	shalt  }
0x4a: {  	_ =	shalt  }
0x4b: {  	_ =	shalt  }
0x4c: {  	_ =	shalt  }
0x4d: {  	_ =	shalt  }
0x4e: {  	_ =	shalt  }
0x4f: {  	_ =	shalt  }
0x50: {  	_ =	shalt  }
0x51: {  	_ =	shalt  }
0x52: {  	_ =	shalt  }
0x53: {  	_ =	shalt  }
0x54: {  	_ =	shalt  }
0x55: {  	_ =	shalt  }
0x56: {  	_ =	shalt  }
0x57: {  	_ =	shalt  }
0x58: {  	_ =	shalt  }
0x59: {  	_ =	shalt  }
0x5a: {  	_ =	shalt  }
0x5b: {  	_ =	shalt  }
0x5c: {  	_ =	shalt  }
0x5d: {  	_ =	shalt  }
0x5e: {  	_ =	shalt  }
0x5f: {  	_ =	shalt  }
0x60: {  	_ =	shalt  }
0x61: {  	_ =	shalt  }
0x62: {  	_ =	shalt  }
0x63: {  	_ =	shalt  }
0x64: {  	_ =	shalt  }
0x65: {  	_ =	shalt  }
0x66: {  	_ =	shalt  }
0x67: {  	_ =	shalt  }
0x68: {  	_ =	shalt  }
0x69: {  	_ =	shalt  }
0x6a: {  	_ =	shalt  }
0x6b: {  	_ =	shalt  }
0x6c: {  	_ =	shalt  }
0x6d: {  	_ =	shalt  }
0x6e: {  	_ =	shalt  }
0x6f: {  	_ =	shalt  }
0x70: {  	_ =	shalt  }
0x71: {  	_ =	shalt  }
0x72: {  	_ =	shalt  }
0x73: {  	_ =	shalt  }
0x74: {  	_ =	shalt  }
0x75: {  	_ =	shalt  }
0x76: {  	_ =	shalt  }
0x77: {  	_ =	shalt  }
0x78: {  	_ =	shalt  }
0x79: {  	_ =	shalt  }
0x7a: {  	_ =	shalt  }
0x7b: {  	_ =	shalt  }
0x7c: {  	_ =	shalt  }
0x7d: {  	_ =	shalt  }
0x7e: {  	_ =	shalt  }
0x7f: {  	_ =	shalt  }
0x80: {  	_ =	shalt  }
0x81: {  	_ =	shalt  }
0x82: {  	_ =	shalt  }
0x83: {  	_ =	shalt  }
0x84: {  	_ =	shalt  }
0x85: {  	_ =	shalt  }
0x86: {  	_ =	shalt  }
0x87: {  	_ =	shalt  }
.Lfunc_end0:
.L_simem_size_0:
called_computation_lowered:
.L_overlay_start_0:
0x88: {  	s2 =	sld [smem:$0x3FD9]  }
0x89: {  	s3 =	sld [smem:$0x3FFE];
	_ =	sdelay $0x1  }
0x8a: {  	s1 =	srdreg.scid  }
0x8b: {  	s0 =	sand.u32 $0x1, s1  }
0x8c: {  	s17 =	sshll.u32 s0, $0xA;
	s2 =	sadd.s32 s3, s2  }
0x8d: {  	s2 =	sadd.s32 s2, s17  }
0x8e: {  	[smem:$0x3FC4] =	sst s2  }
0x8f: {  	_ = 	snop  }
0x90: {  	s2 =	sld [smem:$0x3FC7]  }
0x91: {  	s18 =	sld [smem:$0x3FC6]  }
0x92: {  	s4 =	sld [smem:$0x3FD0];
	(tm) =	ssettm $0x1  }
0x93: {  	s5 =	sld [smem:$0x3FFB];
	_ =	sdelay $0x3  }
0x94: {  	_ =	strace s5  }
0x95: {  	s5 =	sld [smem:$0x3FFC];
	_ =	sdelay $0x3  }
0x96: {  	_ =	strace s5  }
0x97: {  	s5 =	sld [smem:$0x3FFD];
	_ =	sdelay $0x3  }
0x98: {  	_ =	strace s5  }
0x99: {  	_ =	strace $0x8FFFFFFF  }
0x9a: {  	s19 =	sld [smem:$0x3FDB];
	_ =	sdelay $0x1  }
0x9b: {  	s6 =	simm.s32 $_scs_section_size  }
0x9c: {  	s7 =	simm.s32 $_size__tile_overlayer_lowered;
	s8 =	simm.s32 $_tile_overlayer_lowered  }
0x9d: {  	s22 =	simm.s32 $0x1BFF;
	s21 =	sshll.u32 s8, $0x1;
	s5 =	sadd.s32 s6, s19  }
0x9e: {  	s9 =	simm.s32 $0x0;
	s20 =	sshll.u32 s7, $0x1;
	s7 =	sadd.s32 s21, s5  }
0x9f: {  	[timem:s9], [sflag:s22] =	dma.local [hbm:s7], s20  }
0xa0: {  	_ =	swait.ge [sflag:s22], s20  }
0xa1: {  	s6 =	ssub.s32 $0x0, s20;
	[sflag:s22] =	ssyncset.done $0x0  }
0xa2: {  	[sflag:s22] =	ssyncadd.s32 s6;
	_ =	sdelay $0x1  }
0xa3: {  	s23 =	simm.s32 $0x1B8B  }
0xa4: {  	_ =	swait.ge [sflag:s23], $0x1  }
0xa5: {  	[sflag:s23] =	ssyncset.done $0x0  }
0xa6: {  	s25 =	simm.s32 $0x1B8E;
	s24 =	sld [smem:$0x3FFE];
	[sflag:s23] =	ssyncadd.s32 $0xFFFFFFFF  }
0xa7: {  	s26 =	simm.s32 $execute0_lowered;
	[smem:$0x3FD2] =	sst s25  }
0xa8: {  	s7 =	sshll.u32 s26, $0x1;
	_ =	strace $0x80000046;
	[dreg:$0x1] =	wrdreg $0xFFFFFFFF  }
0xa9: {  	s28 =	simm.s32 $_size_execute0_lowered;
	s5 =	sadd.s32 s5, s7;
	[dreg:$0x0] =	wrdreg $0x0  }
0xaa: {  	s7 =	sshll.u32 s28, $0x1;
	[dreg:$0x2] =	wrdreg s5  }
0xab: {  	[dreg:$0x3] =	wrdreg s7  }
0xac: {  	[dreg:$0x4] =	wrdreg $0xC0  }
0xad: {  	_ =	task [dreg:s9], $0x5FFFF  }
0xae: {  	[dreg:$0x1] =	wrdreg $0xFFFFFFFF  }
0xaf: {  	[dreg:$0x0] =	wrdreg $0x60  }
0xb0: {  	[dreg:$0x2] =	wrdreg s24  }
0xb1: {  	[dreg:$0x3] =	wrdreg s2  }
0xb2: {  	[dreg:$0x4] =	wrdreg s18  }
0xb3: {  	[dreg:$0x5] =	wrdreg s4  }
0xb4: {  	[dreg:$0x6] =	wrdreg $0x4B000  }
0xb5: {  	[dreg:$0x7] =	wrdreg $0x9  }
0xb6: {  	_ =	task.clear_ibuf [dreg:s9], $0x8FFFF;
	_ =	strace $0x90000046  }
0xb7: {  	s29 =	simm.s32 $0x9;
	_ =	strace $0x80000048  }
0xb8: {  	_ =	swait.ge [sflag:s29], $0x1  }
0xb9: {  	[sflag:s29] =	ssyncadd.s32 $0xFFFFFFFF  }
0xba: {  	_ =	strace $0x90000048  }
0xbb: {  	_ =	sfence  }
0xbc: {  	s30 =	sld [smem:$0x0];
	_ =	sdelay $0x2  }
0xbd: {  	s31 =	sshll.u32 s1, $0xD;
	s1 =	sshrl.u32 s1, $0x2  }
0xbe: {  	s3 =	sand.u32 $0x4000, s31;
	s1 =	sadd.s32 s1, s30  }
0xbf: {  	s0 =	sor.u32 s3, s0;
	s1 =	sshll.u32 s1, $0x11  }
0xc0: {  	s0 =	sor.u32 s1, s0  }
0xc1: {  	s0 =	sadd.s32 $0x8F2B, s0  }
0xc2: {  	[sflag:s0] =	ssyncadd.remote.s32 $0x1  }
0xc3: {  	_ =	sfence.sel $0xFFFF  }
0xc4: {  	[dreg:$0x0] =	wrdreg $0xFFFFFFFF;
	(pc) =	sbr.abs _section_cstart, $3  }
0xc5: {  	[dreg:$0x1] =	wrdreg $0xFFFFFFFF  }
0xc6: {  	_ =	task.clear_ibuf [dreg:s9], $0x2FFFF;
	_ =	strace $0x9FFFFFFF  }
0xc7: {  	(tm) =	ssettm $0x7FFFFFFF  }
tec
execute0_lowered:
.L_overlay_start_1:
0x0: {  	(tag) =	ssettag $0x1  }
0x1: {  	s0 =	rddreg [dreg:$0x0]  }
0x2: {  	s1 =	rddreg [dreg:$0x1]  }
0x3: {  	s4 =	rddreg [dreg:$0x3];
	s2 =	srdreg.scid  }
0x4: {  	s11 =	stileid.u32;
	s5 =	rddreg [dreg:$0x4];
	s6 =	simm.s32 $0x0  }
0x5: {  	s15 =	simm.s32 $0x9;
	s18 =	simm.s32 $0x5C00;
	s19 =	simm.s32 $0x40  }
0x6: {  	s21 =	simm.s32 $0x80;
	s30 =	simm.s32 $0x1;
	s31 =	simm.s32 $0x3  }
0x7: {  	s16 =	simm.s32 $0x4;
	s17 =	simm.s32 $0x6;
	s20 =	simm.s32 $0x19C00  }
0x8: {  	s22 =	simm.s32 $0x7;
	s23 =	simm.s32 $0x8;
	s2 =	sand.u32 $0x1, s2  }
0x9: {  	s3 =	sshll.u32 s11, $0x1;
	[smem:$0x7FF] =	sst s6;
	s8 =	sshll.u32 s11, $0x9  }
0xa: {  	s25 =	sshll.u32 s11, $0x4;
	s28 =	sshll.u32 s11, $0xC;
	s3 =	sor.u32 s2, s3  }
0xb: {  	_ =	strace $0x80000047;
	s2 =	ssub.s32 $0x2, s2;
	s7 =	smul.u32 $0x320, s3  }
0xc: {  	s8 =	sand.u32 $0xE00, s8;
	s9 =	sshrl.u32 s2, $0x1;
	s26 =	smul.u32 $0x19000, s3  }
0xd: {  	s10 =	sand.u32 $0x80, s25;
	s12 =	smul.u32 $0xC8000, s3;
	s2 =	ssub.s32 s2, s9  }
0xe: {  	s3 =	simm.s32 $0x5;
	s7 =	sadd.s32 s7, s0;
	s2 =	smax.u32 s2, $0x1  }
0xf: {  	s0 =	sadd.s32 s8, s0;
	s24 =	sadd.s32 $0x400, s7;
	[dreg:$0xa] =	wrdreg s2  }
0x10: {  	s29 =	sadd.s32 s26, s4;
	s7 =	sadd.s32 $0x6800, s7;
	[dreg:$0x6] =	wrdreg s24  }
0x11: {  	s0 =	sadd.s32 $0xCC00, s0;
	s14 =	sadd.s32 $0x800, s29;
	[dreg:$0x7] =	wrdreg s7  }
0x12: {  	s2 =	simm.s32 $0x2;
	[dreg:$0x8] =	wrdreg s0;
	s0 =	sadd.s32 s28, s5  }
0x13: {  	v0 =	vlaneseq.u32;
	s24 =	simm.s32 $0x0;
	[dreg:$0x9] =	wrdreg s0;
	s0 =	simm.s32 $0x15C00  }
.LBB2_1:
0x14: {  	s7 =	rddreg [dreg:$0x6]  }
0x15: {  	[tilespmem:s6], [sflag:$0x9] =	stream.linear.gather [hbm4b:s7+s6], $0x1900, $0x38;
	[tilespmem:$0x1DC00] =	vst v63  }
0x16: {  	_ =	swait.ge [sflag:s15], $0x1900  }
0x17: {  	[sflag:s15] =	ssyncset.done $0x0  }
0x18: {  	s8 =	simm.s32 $0x1900;
	s25 =	rddreg [dreg:$0x7];
	[sflag:s15] =	ssyncadd.s32 $0xFFFFE700  }
0x19: {  	[tilespmem:s8], [sflag:$0x9] =	stream.linear.gather [hbm4b:s25+s6], $0x1900, $0x38;
	[tilespmem:$0x1DC00] =	vst v63  }
0x1a: {  	_ =	swait.ge [sflag:s15], $0x1900  }
0x1b: {  	[sflag:s15] =	ssyncset.done $0x0  }
0x1c: {  	[sflag:s15] =	ssyncadd.s32 $0xFFFFE700  }
0x1d: {  	s28 =	simm.s32 $0x5B00;
	s26 =	rddreg [dreg:$0x2]  }
0x1e: {  	[tilespmem:s28], [sflag:$0x9] =	stream.linear.gather [hbm4b:s26+s6], $0x100, $0x38;
	[tilespmem:$0x1DC00] =	vst v63  }
0x1f: {  	_ =	swait.ge [sflag:s15], $0x100  }
0x20: {  	[sflag:s15] =	ssyncset.done $0x0  }
0x21: {  	s29 =	rddreg [dreg:$0x8];
	[sflag:s15] =	ssyncadd.s32 $0xFFFFFF00  }
0x22: {  	[tilespmem:s18], [sflag:$0x9] =	stream.linear.gather [hbm4b:s29+s6], $0x1000, $0x38;
	[tilespmem:$0x1DC00] =	vst v63  }
0x23: {  	_ =	swait.ge [sflag:s15], $0x1000  }
0x24: {  	[sflag:s15] =	ssyncset.done $0x0  }
0x25: {  	[sflag:s15] =	ssyncadd.s32 $0xFFFFF000  }
0x26: {  	s7 =	simm.s32 $0x0;
	v1 =	vld [tilespmem:s10+$0x5B00]  }
0x27: {  	v2 =	vld [tilespmem:s7+$0x5C00];
	_ =	sdelay $0x4  }
0x28: {  	v1 =	vadd.f32 v1, v2;
	_ =	sdelay $0x1  }
0x29: {  	[tilespmem:s7+$0x5C00] =	vst v1;
	v1 =	vld [tilespmem:s7+$0x5C10]  }
0x2a: {  	v2 =	vld [tilespmem:s10+$0x5B10];
	_ =	sdelay $0x4  }
0x2b: {  	s8 =	simm.s32 $0x80;
	v3 =	vld [tilespmem:s10+$0x5B00];
	v1 =	vadd.f32 v2, v1  }
0x2c: {  	v2 =	vld [tilespmem:s8+$0x5C00]  }
0x2d: {  	[tilespmem:s7+$0x5C10] =	vst v1;
	v1 =	vld [tilespmem:s7+$0x5C20]  }
0x2e: {  	v4 =	vld [tilespmem:s10+$0x5B20];
	_ =	sdelay $0x2  }
0x2f: {  	v2 =	vadd.f32 v3, v2;
	_ =	sdelay $0x1  }
0x30: {  	[tilespmem:s8+$0x5C00] =	vst v2;
	v2 =	vld [tilespmem:s8+$0x5C10];
	v1 =	vadd.f32 v4, v1  }
0x31: {  	v4 =	vld [tilespmem:s10+$0x5B10]  }
0x32: {  	v3 =	vld [tilespmem:s7+$0x5C30];
	[tilespmem:s7+$0x5C20] =	vst v1  }
0x33: {  	v1 =	vld [tilespmem:s10+$0x5B30];
	_ =	sdelay $0x2  }
0x34: {  	s9 =	simm.s32 $0x100;
	v5 =	vld [tilespmem:s10+$0x5B00];
	v2 =	vadd.f32 v4, v2  }
0x35: {  	v4 =	vld [tilespmem:s9+$0x5C00]  }
0x36: {  	[tilespmem:s8+$0x5C10] =	vst v2;
	v2 =	vld [tilespmem:s8+$0x5C20];
	v1 =	vadd.f32 v1, v3  }
0x37: {  	v3 =	vld [tilespmem:s7+$0x5C40]  }
0x38: {  	[tilespmem:s7+$0x5C30] =	vst v1;
	v1 =	vld [tilespmem:s10+$0x5B20]  }
0x39: {  	v6 =	vld [tilespmem:s10+$0x5B40]  }
0x3a: {  	v4 =	vadd.f32 v5, v4;
	_ =	sdelay $0x1  }
0x3b: {  	[tilespmem:s9+$0x5C00] =	vst v4;
	v4 =	vld [tilespmem:s9+$0x5C10]  }
0x3c: {  	v1 =	vadd.f32 v1, v2;
	v2 =	vld [tilespmem:s10+$0x5B10]  }
0x3d: {  	v5 =	vld [tilespmem:s8+$0x5C30];
	v3 =	vadd.f32 v6, v3  }
0x3e: {  	v6 =	vld [tilespmem:s7+$0x5C50];
	[tilespmem:s8+$0x5C20] =	vst v1  }
0x3f: {  	v7 =	vld [tilespmem:s10+$0x5B30];
	[tilespmem:s7+$0x5C40] =	vst v3  }
0x40: {  	v8 =	vld [tilespmem:s10+$0x5B50]  }
0x41: {  	v1 =	vld [tilespmem:s7+$0x5C60];
	v2 =	vadd.f32 v2, v4  }
0x42: {  	v3 =	vld [tilespmem:s10+$0x5B00]  }
0x43: {  	[tilespmem:s9+$0x5C10] =	vst v2;
	v2 =	vld [tilespmem:s8+$0x5C40]  }
0x44: {  	s11 =	simm.s32 $0x180;
	v4 =	vadd.f32 v7, v5;
	v5 =	vld [tilespmem:s9+$0x5C20]  }
0x45: {  	v7 =	vld [tilespmem:s11+$0x5C00];
	v8 =	vadd.f32 v8, v6  }
0x46: {  	v6 =	vld [tilespmem:s10+$0x5B20];
	[tilespmem:s8+$0x5C30] =	vst v4  }
0x47: {  	s13 =	simm.s32 $0x800;
	[tilespmem:s7+$0x5C50] =	vst v8;
	v4 =	vld [tilespmem:s10+$0x5B40]  }
.LBB2_2:
0x48: {  	p0 =	sne.s32 s13, $0x3E00;
	v8 =	vld [tilespmem:s10+$0x5B60];
	s25 =	smov.u32 s9;
	s9 =	smov.u32 s11  }
0x49: {  	v9 =	vld [tilespmem:s7+$0x5C70]  }
0x4a: {  	v3 =	vadd.f32 v3, v7;
	v7 =	vld [tilespmem:s8+$0x5C50]  }
0x4b: {  	v5 =	vadd.f32 v6, v5;
	v6 =	vld [tilespmem:s25+$0x5C30]  }
0x4c: {  	[tilespmem:s9+$0x5C00] =	vst v3;
	v10 =	vld [tilespmem:s9+$0x5C10];
	v2 =	vadd.f32 v4, v2  }
0x4d: {  	v4 =	vld [tilespmem:s10+$0x5B10];
	[tilespmem:s25+$0x5C20] =	vst v5;
	v1 =	vadd.f32 v8, v1  }
0x4e: {  	v5 =	vld [tilespmem:s10+$0x5B30];
	[tilespmem:s8+$0x5C40] =	vst v2  }
0x4f: {  	v8 =	vld [tilespmem:s10+$0x5B50];
	[tilespmem:s7+$0x5C60] =	vst v1  }
0x50: {  	v11 =	vld [tilespmem:s10+$0x5B70]  }
0x51: {  	v3 =	vld [tilespmem:s10+$0x5B00]  }
0x52: {  	v4 =	vadd.f32 v4, v10;
	v1 =	vld [tilespmem:s8+$0x5C60]  }
.Ltmp0:
0x53: {  	v6 =	vadd.f32 v5, v6;
	v2 =	vld [tilespmem:s25+$0x5C40];
	(pc) =	sbr.rel @p0 .LBB2_2-.Ltmp0, $4  }
0x54: {  	s11 =	sshra.s32 s13, $0x2;
	[tilespmem:s9+$0x5C10] =	vst v4;
	v5 =	vld [tilespmem:s9+$0x5C20];
	v4 =	vadd.f32 v8, v7  }
0x55: {  	v7 =	vld [tilespmem:s11+$0x5C00];
	[tilespmem:s25+$0x5C30] =	vst v6;
	v8 =	vadd.f32 v11, v9  }
0x56: {  	v6 =	vld [tilespmem:s10+$0x5B20];
	[tilespmem:s8+$0x5C50] =	vst v4  }
0x57: {  	s13 =	sadd.s32 $0x200, s13;
	v4 =	vld [tilespmem:s10+$0x5B40];
	[tilespmem:s7+$0x5C70] =	vst v8;
	s7 =	smov.u32 s8;
	s8 =	smov.u32 s25  }
0x58: {  	_ =	sdelay $0x1  }
0x59: {  	v3 =	vadd.f32 v3, v7;
	_ =	sdelay $0x1  }
0x5a: {  	[tilespmem:s11+$0x5C00] =	vst v3;
	v3 =	vld [tilespmem:s11+$0x5C10]  }
0x5b: {  	v7 =	vld [tilespmem:s10+$0x5B10];
	_ =	sdelay $0x4  }
0x5c: {  	v3 =	vadd.f32 v7, v3;
	_ =	sdelay $0x1  }
0x5d: {  	[tilespmem:s11+$0x5C10] =	vst v3;
	v3 =	vld [tilespmem:s11+$0x5C20]  }
0x5e: {  	v7 =	vld [tilespmem:s10+$0x5B20];
	_ =	sdelay $0x3  }
0x5f: {  	v5 =	vadd.f32 v6, v5  }
0x60: {  	v6 =	vld [tilespmem:s9+$0x5C30];
	v3 =	vadd.f32 v7, v3  }
0x61: {  	[tilespmem:s9+$0x5C20] =	vst v5;
	v5 =	vld [tilespmem:s11+$0x5C30]  }
0x62: {  	v7 =	vld [tilespmem:s10+$0x5B30];
	[tilespmem:s11+$0x5C20] =	vst v3  }
0x63: {  	v3 =	vld [tilespmem:s10+$0x5B30];
	_ =	sdelay $0x3  }
0x64: {  	v6 =	vadd.f32 v7, v6  }
0x65: {  	v7 =	vld [tilespmem:s9+$0x5C40];
	v3 =	vadd.f32 v3, v5  }
0x66: {  	[tilespmem:s9+$0x5C30] =	vst v6;
	v5 =	vld [tilespmem:s11+$0x5C40]  }
0x67: {  	v6 =	vld [tilespmem:s10+$0x5B40];
	[tilespmem:s11+$0x5C30] =	vst v3  }
0x68: {  	v3 =	vld [tilespmem:s10+$0x5B40]  }
0x69: {  	v2 =	vadd.f32 v4, v2;
	_ =	sdelay $0x1  }
0x6a: {  	v4 =	vld [tilespmem:s8+$0x5C50];
	[tilespmem:s8+$0x5C40] =	vst v2  }
0x6b: {  	v2 =	vld [tilespmem:s10+$0x5B50];
	v6 =	vadd.f32 v6, v7  }
0x6c: {  	v7 =	vld [tilespmem:s9+$0x5C50];
	v3 =	vadd.f32 v3, v5  }
0x6d: {  	[tilespmem:s9+$0x5C40] =	vst v6;
	v5 =	vld [tilespmem:s11+$0x5C50]  }
0x6e: {  	v6 =	vld [tilespmem:s10+$0x5B50];
	[tilespmem:s11+$0x5C40] =	vst v3  }
0x6f: {  	v3 =	vld [tilespmem:s10+$0x5B50]  }
0x70: {  	v2 =	vadd.f32 v2, v4  }
0x71: {  	v8 =	vld [tilespmem:s10+$0x5B60]  }
0x72: {  	v4 =	vld [tilespmem:s8+$0x5C60];
	[tilespmem:s8+$0x5C50] =	vst v2  }
0x73: {  	v2 =	vld [tilespmem:s10+$0x5B60];
	v6 =	vadd.f32 v6, v7  }
0x74: {  	v7 =	vld [tilespmem:s9+$0x5C60];
	v3 =	vadd.f32 v3, v5  }
0x75: {  	[tilespmem:s9+$0x5C50] =	vst v6;
	v5 =	vld [tilespmem:s11+$0x5C60]  }
0x76: {  	v6 =	vld [tilespmem:s10+$0x5B60];
	[tilespmem:s11+$0x5C50] =	vst v3  }
0x77: {  	v1 =	vadd.f32 v8, v1;
	v3 =	vld [tilespmem:s10+$0x5B60]  }
0x78: {  	v8 =	vld [tilespmem:s7+$0x5C70];
	v2 =	vadd.f32 v2, v4  }
0x79: {  	[tilespmem:s7+$0x5C60] =	vst v1;
	v1 =	vld [tilespmem:s8+$0x5C70]  }
0x7a: {  	v4 =	vld [tilespmem:s10+$0x5B70];
	[tilespmem:s8+$0x5C60] =	vst v2  }
0x7b: {  	v2 =	vld [tilespmem:s10+$0x5B70];
	v6 =	vadd.f32 v6, v7  }
0x7c: {  	v7 =	vld [tilespmem:s9+$0x5C70];
	v3 =	vadd.f32 v3, v5  }
0x7d: {  	[tilespmem:s9+$0x5C60] =	vst v6;
	v5 =	vld [tilespmem:s11+$0x5C70]  }
0x7e: {  	v6 =	vld [tilespmem:s10+$0x5B70];
	[tilespmem:s11+$0x5C60] =	vst v3  }
0x7f: {  	v3 =	vld [tilespmem:s10+$0x5B70];
	_ =	sdelay $0x1  }
0x80: {  	v4 =	vadd.f32 v4, v8  }
0x81: {  	v1 =	vadd.f32 v2, v1  }
0x82: {  	[tilespmem:s7+$0x5C70] =	vst v4;
	v2 =	vadd.f32 v6, v7  }
0x83: {  	[tilespmem:s8+$0x5C70] =	vst v1;
	v1 =	vadd.f32 v3, v5  }
0x84: {  	[tilespmem:s9+$0x5C70] =	vst v2  }
0x85: {  	[tilespmem:s11+$0x5C70] =	vst v1  }
0x86: {  	s7 =	rddreg [dreg:$0x9]  }
0x87: {  	[spmem:s7] =	stream.linear.scatter [tilespmem:s18], [sflag:$0x9], $0x1000, $0x38;
	[tilespmem:$0x1DC00] =	vst v63  }
0x88: {  	_ =	swait.ge [sflag:s15], $0x1000  }
0x89: {  	[sflag:s15] =	ssyncset.done $0x0  }
0x8a: {  	s26 =	simm.s32 $0x0;
	[sflag:s15] =	ssyncadd.s32 $0xFFFFF000  }
0x8b: {  	s25 =	simm.s32 $0x1910;
	s28 =	simm.s32 $0x10;
	v3 =	vor.u32 s26, v0;
	[bflag:$0x0] =	sbarrier.arrive $0xFFFF  }
0x8c: {  	v9 =	vor.u32 s28, v0;
	v2 =	vmulhi.u32 $0x51EB851F, v3;
	v1 =	vld [tilespmem:s25+$0x0]  }
0x8d: {  	v4 =	vmulhi.u32 $0x51EB851F, v9;
	v8 =	vld [tilespmem:s25+$0xFFFFFFF0]  }
0x8e: {  	v2 =	vshrl.u32 v2, $0x6  }
0x8f: {  	s8 =	simm.s32 $0x30;
	v6 =	vmul.u32 $0xC8, v2;
	v2 =	vshrl.u32 v4, $0x6  }
0x90: {  	s29 =	simm.s32 $0x20;
	s11 =	simm.s32 $0x1930;
	v10 =	vmul.u32 $0xC8, v2;
	v2 =	vor.u32 s8, v0  }
0x91: {  	v6 =	vsub.s32 v3, v6;
	v4 =	vld [tilespmem:s11+$0x0];
	v5 =	vshll.u32 v1, $0x8;
	v1 =	vor.u32 s29, v0  }
0x92: {  	s13 =	simm.s32 $0x2;
	s9 =	simm.s32 $0x3210;
	s7 =	simm.s32 $0x3210;
	v9 =	vsub.s32 v9, v10;
	v3 =	vld [tilespmem:s11+$0xFFFFFFF0];
	v8 =	vshll.u32 v8, $0x8;
	v7 =	vmulhi.u32 $0x51EB851F, v1  }
.LBB2_4:
0x93: {  	s13 =	sadd.s32 $0x2, s13  }
0x94: {  	v10 =	vmulhi.u32 $0x51EB851F, v2;
	v6 =	vor.u32 v6, v8;
	v5 =	vor.u32 v9, v5;
	s7 =	sadd.s32 $0x20, s7;
	p0 =	slt.u32 s13, $0x18E  }
.Ltmp1:
0x95: {  	v7 =	vshrl.u32 v7, $0x6;
	[tilespmem:s9+$0x0] =	vst v5;
	(pc) =	sbr.rel @p0 .LBB2_4-.Ltmp1, $4  }
0x96: {  	s8 =	sadd.s32 $0x20, s8;
	v7 =	vmul.u32 $0xC8, v7;
	v5 =	vshrl.u32 v10, $0x6;
	[tilespmem:s9+$0xFFFFFFF0] =	vst v6;
	s9 =	smov.u32 s7  }
0x97: {  	s11 =	sadd.s32 $0x20, s11;
	s25 =	sadd.s32 $0xFFFFFFF0, s8;
	v9 =	vmul.u32 $0xC8, v5;
	v5 =	vshll.u32 v4, $0x8  }
0x98: {  	v10 =	vor.u32 s8, v0;
	v4 =	vld [tilespmem:s11+$0x0];
	v6 =	vsub.s32 v1, v7;
	v1 =	vor.u32 s25, v0  }
0x99: {  	v8 =	vshll.u32 v3, $0x8;
	v7 =	vmulhi.u32 $0x51EB851F, v1;
	v3 =	vld [tilespmem:s11+$0xFFFFFFF0];
	v9 =	vsub.s32 v2, v9;
	v2 =	vmovc v10  }
0x9a: {  	v10 =	vmulhi.u32 $0x51EB851F, v2  }
0x9b: {  	v7 =	vshrl.u32 v7, $0x6  }
0x9c: {  	v10 =	vshrl.u32 v10, $0x6;
	v7 =	vmul.u32 $0xC8, v7  }
0x9d: {  	v5 =	vor.u32 v9, v5;
	v10 =	vmul.u32 $0xC8, v10  }
0x9e: {  	v6 =	vor.u32 v6, v8;
	[tilespmem:s9+$0x0] =	vst v5;
	v1 =	vsub.s32 v1, v7;
	v3 =	vshll.u32 v3, $0x8  }
0x9f: {  	s7 =	sadd.s32 $0x20, s7;
	[tilespmem:s9+$0xFFFFFFF0] =	vst v6;
	v4 =	vshll.u32 v4, $0x8;
	v2 =	vsub.s32 v2, v10;
	v1 =	vor.u32 v1, v3  }
0xa0: {  	v2 =	vor.u32 v2, v4;
	[tilespmem:s7+$0xFFFFFFF0] =	vst v1  }
0xa1: {  	s25 =	simm.s32 $0x0;
	[tilespmem:s7+$0x0] =	vst v2  }
0xa2: {  	[tilespmem:s18], [sflag:$0x1] =	stream.indirect.gather [hbm4b:s1+s19], $0x80, s25, s19, $0xb8;
	[tilespmem:$0x1DC00] =	vst v63  }
0xa3: {  	s8 =	simm.s32 $0x7C00  }
0xa4: {  	[tilespmem:s8], [sflag:$0x3] =	stream.indirect.gather [hbm4b:s1+s19], $0x80, s19, s19, $0xb8;
	[tilespmem:$0x1DC00] =	vst v63  }
0xa5: {  	s9 =	simm.s32 $0x3200;
	s8 =	simm.s32 $0xDC00  }
0xa6: {  	[tilespmem:s8], [sflag:$0x5] =	stream.indirect.gather [spmem:s5], $0x80, s9, s21, $0xb8;
	[tilespmem:$0x1DC00] =	vst v63  }
0xa7: {  	s11 =	simm.s32 $0x9C00  }
0xa8: {  	[tilespmem:s11], [sflag:$0x2] =	stream.indirect.gather [hbm4b:s1+s19], $0x80, s21, s19, $0xb8;
	[tilespmem:$0x1DC00] =	vst v63  }
0xa9: {  	s13 =	simm.s32 $0xC0;
	s26 =	simm.s32 $0xBC00  }
0xaa: {  	[tilespmem:s26], [sflag:$0x4] =	stream.indirect.gather [hbm4b:s1+s19], $0x80, s13, s19, $0xb8;
	[tilespmem:$0x1DC00] =	vst v63  }
0xab: {  	s28 =	simm.s32 $0x3280;
	s29 =	simm.s32 $0x11C00  }
0xac: {  	[tilespmem:s29], [sflag:$0x6] =	stream.indirect.gather [spmem:s5], $0x80, s28, s21, $0xb8;
	[tilespmem:$0x1DC00] =	vst v63  }
.LBB2_6:
0xad: {  	_ =	swait.ge [sflag:s30], $0x2000  }
0xae: {  	[sflag:s30] =	ssyncset.done $0x0  }
0xaf: {  	[sflag:s30] =	ssyncadd.s32 $0xFFFFE000  }
0xb0: {  	_ =	swait.ge [sflag:s31], $0x2000  }
0xb1: {  	[sflag:s31] =	ssyncset.done $0x0  }
0xb2: {  	[sflag:s31] =	ssyncadd.s32 $0xFFFFE000  }
0xb3: {  	_ =	swait.ge [sflag:s3], $0x4000  }
0xb4: {  	p1 =	seq.s32 s25, $0x0;
	[sflag:s3] =	ssyncset.done $0x0  }
0xb5: {  	s7 =	simm.s32 @!p1 $0x7;
	[sflag:s3] =	ssyncadd.s32 $0xFFFFC000  }
0xb6: {  	_ =	swait.ge @!p1 [sflag:s7], $0x4000  }
0xb7: {  	[sflag:s7] =	ssyncset.done @!p1 $0x0  }
0xb8: {  	s26 =	simm.s32 $0x5D00;
	[sflag:s7] =	ssyncadd.s32 @!p1 $0xFFFFC000  }
0xb9: {  	v1 =	vld [tilespmem:s26+$0x80]  }
0xba: {  	s9 =	simm.s32 $0xDD00  }
0xbb: {  	v2 =	vld [tilespmem:s9+$0x80]  }
0xbc: {  	v3 =	vld [tilespmem:s26+$0xFFFFFF80]  }
0xbd: {  	v4 =	vld [tilespmem:s26+$0xFFFFFF00]  }
0xbe: {  	v5 =	vld [tilespmem:s26+$0x0];
	v1 =	vmul.f32 $1.131370830e+01, v1  }
0xbf: {  	v6 =	vld [tilespmem:s9+$0xFFFFFF00]  }
0xc0: {  	v7 =	vld [tilespmem:s9+$0xFFFFFF80];
	v1 =	vadd.f32 v2, v1  }
0xc1: {  	s28 =	simm.s32 $0x15D00  }
0xc2: {  	v2 =	vmul.f32 $1.131370830e+01, v4;
	v4 =	vld [tilespmem:s9+$0x0];
	[tilespmem:s28+$0x80] =	vst v1  }
0xc3: {  	v1 =	vmul.f32 $1.131370830e+01, v3;
	v3 =	vld [tilespmem:s26+$0x90]  }
0xc4: {  	v2 =	vadd.f32 v6, v2  }
0xc5: {  	v5 =	vmul.f32 $1.131370830e+01, v5;
	v6 =	vld [tilespmem:s9+$0x90];
	v1 =	vadd.f32 v7, v1  }
0xc6: {  	[tilespmem:s28+$0xFFFFFF00] =	vst v2  }
0xc7: {  	v2 =	vld [tilespmem:s26+$0xFFFFFF10];
	[tilespmem:s28+$0xFFFFFF80] =	vst v1;
	v1 =	vadd.f32 v4, v5  }
0xc8: {  	v5 =	vld [tilespmem:s9+$0xFFFFFF10];
	v3 =	vmul.f32 $1.131370830e+01, v3  }
0xc9: {  	v4 =	vld [tilespmem:s26+$0xFFFFFF90];
	[tilespmem:s28+$0x0] =	vst v1  }
0xca: {  	v1 =	vld [tilespmem:s26+$0x10];
	v3 =	vadd.f32 v6, v3  }
0xcb: {  	v6 =	vld [tilespmem:s9+$0xFFFFFF90]  }
0xcc: {  	v7 =	vld [tilespmem:s9+$0x10];
	v2 =	vmul.f32 $1.131370830e+01, v2;
	[tilespmem:s28+$0x90] =	vst v3  }
0xcd: {  	v3 =	vld [tilespmem:s26+$0xA0]  }
0xce: {  	v4 =	vmul.f32 $1.131370830e+01, v4;
	v2 =	vadd.f32 v5, v2  }
0xcf: {  	v5 =	vld [tilespmem:s9+$0xA0]  }
0xd0: {  	v1 =	vmul.f32 $1.131370830e+01, v1;
	[tilespmem:s28+$0xFFFFFF10] =	vst v2;
	v2 =	vadd.f32 v6, v4;
	_ =	sdelay $0x1  }
0xd1: {  	v4 =	vld [tilespmem:s26+$0xFFFFFF20];
	v1 =	vadd.f32 v7, v1;
	[tilespmem:s28+$0xFFFFFF90] =	vst v2;
	v2 =	vmul.f32 $1.131370830e+01, v3  }
0xd2: {  	v6 =	vld [tilespmem:s9+$0xFFFFFF20]  }
0xd3: {  	v3 =	vld [tilespmem:s26+$0xFFFFFFA0];
	[tilespmem:s28+$0x10] =	vst v1;
	v2 =	vadd.f32 v5, v2  }
0xd4: {  	v1 =	vld [tilespmem:s26+$0x20]  }
0xd5: {  	v7 =	vld [tilespmem:s9+$0x20];
	[tilespmem:s28+$0xA0] =	vst v2  }
0xd6: {  	v4 =	vmul.f32 $1.131370830e+01, v4;
	v2 =	vld [tilespmem:s26+$0xB0]  }
0xd7: {  	v5 =	vld [tilespmem:s9+$0xFFFFFFA0]  }
0xd8: {  	v4 =	vadd.f32 v6, v4;
	v6 =	vld [tilespmem:s9+$0xB0]  }
0xd9: {  	v1 =	vmul.f32 $1.131370830e+01, v1  }
0xda: {  	[tilespmem:s28+$0xFFFFFF20] =	vst v4  }
0xdb: {  	v3 =	vmul.f32 $1.131370830e+01, v3;
	v4 =	vld [tilespmem:s26+$0xFFFFFF30];
	v1 =	vadd.f32 v7, v1;
	v2 =	vmul.f32 $1.131370830e+01, v2;
	_ =	sdelay $0x1  }
0xdc: {  	v3 =	vadd.f32 v5, v3;
	v5 =	vld [tilespmem:s9+$0xFFFFFF30];
	[tilespmem:s28+$0x20] =	vst v1;
	v2 =	vadd.f32 v6, v2  }
0xdd: {  	v1 =	vld [tilespmem:s26+$0x30]  }
0xde: {  	v7 =	vld [tilespmem:s9+$0x30];
	[tilespmem:s28+$0xB0] =	vst v2  }
0xdf: {  	[tilespmem:s28+$0xFFFFFFA0] =	vst v3;
	v2 =	vmul.f32 $1.131370830e+01, v4;
	v4 =	vld [tilespmem:s26+$0xC0]  }
0xe0: {  	v3 =	vld [tilespmem:s26+$0xFFFFFFB0]  }
0xe1: {  	v2 =	vadd.f32 v5, v2;
	v5 =	vld [tilespmem:s9+$0xC0]  }
0xe2: {  	v6 =	vld [tilespmem:s9+$0xFFFFFFB0];
	v1 =	vmul.f32 $1.131370830e+01, v1;
	_ =	sdelay $0x1  }
0xe3: {  	v1 =	vadd.f32 v7, v1;
	v4 =	vmul.f32 $1.131370830e+01, v4  }
0xe4: {  	s7 =	simm.s32 $0x5F00;
	v3 =	vmul.f32 $1.131370830e+01, v3;
	[tilespmem:s28+$0xFFFFFF30] =	vst v2  }
0xe5: {  	v9 =	vld [tilespmem:s7+$0x80];
	[tilespmem:s28+$0x30] =	vst v1;
	v1 =	vadd.f32 v5, v4  }
0xe6: {  	v2 =	vadd.f32 v6, v3;
	v3 =	vld [tilespmem:s26+$0xFFFFFF40]  }
0xe7: {  	v6 =	vld [tilespmem:s9+$0xFFFFFF40];
	[tilespmem:s28+$0xC0] =	vst v1  }
0xe8: {  	[tilespmem:s28+$0xFFFFFFB0] =	vst v2;
	v1 =	vld [tilespmem:s26+$0xD0]  }
0xe9: {  	v2 =	vld [tilespmem:s26+$0xFFFFFFC0]  }
0xea: {  	v8 =	vld [tilespmem:s9+$0xD0]  }
0xeb: {  	v5 =	vld [tilespmem:s9+$0xFFFFFFC0];
	v3 =	vmul.f32 $1.131370830e+01, v3  }
0xec: {  	v10 =	vld [tilespmem:s7+$0xFFFFFF80]  }
0xed: {  	s8 =	simm.s32 $0xDF00;
	v4 =	vld [tilespmem:s26+$0x40];
	v3 =	vadd.f32 v6, v3;
	v1 =	vmul.f32 $1.131370830e+01, v1  }
0xee: {  	v11 =	vld [tilespmem:s8+$0x80];
	v2 =	vmul.f32 $1.131370830e+01, v2  }
0xef: {  	v7 =	vld [tilespmem:s9+$0x40];
	[tilespmem:s28+$0xFFFFFF40] =	vst v3;
	v1 =	vadd.f32 v8, v1  }
0xf0: {  	v2 =	vadd.f32 v5, v2;
	v3 =	vld [tilespmem:s26+$0xFFFFFF50]  }
0xf1: {  	v5 =	vld [tilespmem:s9+$0xFFFFFF50];
	[tilespmem:s28+$0xD0] =	vst v1  }
0xf2: {  	v4 =	vmul.f32 $1.131370830e+01, v4;
	[tilespmem:s28+$0xFFFFFFC0] =	vst v2;
	v1 =	vld [tilespmem:s26+$0xE0]  }
0xf3: {  	v2 =	vld [tilespmem:s26+$0xFFFFFFD0]  }
0xf4: {  	v4 =	vadd.f32 v7, v4;
	v7 =	vld [tilespmem:s9+$0xE0]  }
0xf5: {  	v12 =	vld [tilespmem:s7+$0x0]  }
0xf6: {  	v9 =	vmul.f32 $1.131370830e+01, v9;
	v6 =	vld [tilespmem:s9+$0xFFFFFFD0]  }
0xf7: {  	v14 =	vld [tilespmem:s8+$0xFFFFFF80];
	v3 =	vmul.f32 $1.131370830e+01, v3;
	v1 =	vmul.f32 $1.131370830e+01, v1  }
0xf8: {  	v9 =	vadd.f32 v11, v9;
	v11 =	vld [tilespmem:s8+$0x0]  }
0xf9: {  	[tilespmem:s28+$0x40] =	vst v4;
	v3 =	vadd.f32 v5, v3;
	v5 =	vmul.f32 $1.131370830e+01, v2;
	v1 =	vadd.f32 v7, v1;
	v7 =	vld [tilespmem:s7+$0xFFFFFF00]  }
0xfa: {  	v4 =	vld [tilespmem:s26+$0x50]  }
0xfb: {  	s29 =	simm.s32 $0x15F00;
	v13 =	vld [tilespmem:s8+$0xFFFFFF00];
	[tilespmem:s28+$0xFFFFFF50] =	vst v3;
	v3 =	vadd.f32 v6, v5;
	v5 =	vmul.f32 $1.131370830e+01, v10  }
0xfc: {  	[tilespmem:s29+$0x80] =	vst v9;
	v8 =	vld [tilespmem:s9+$0x50]  }
0xfd: {  	v6 =	vld [tilespmem:s7+$0x90];
	[tilespmem:s28+$0xFFFFFFD0] =	vst v3;
	v3 =	vmul.f32 $1.131370830e+01, v12;
	v5 =	vadd.f32 v14, v5  }
0xfe: {  	v10 =	vld [tilespmem:s8+$0x90];
	v7 =	vmul.f32 $1.131370830e+01, v7  }
0xff: {  	v4 =	vmul.f32 $1.131370830e+01, v4;
	v9 =	vld [tilespmem:s26+$0xFFFFFF60];
	[tilespmem:s29+$0xFFFFFF80] =	vst v5;
	v3 =	vadd.f32 v11, v3  }
0x100: {  	v5 =	vld [tilespmem:s7+$0xFFFFFF90];
	v7 =	vadd.f32 v13, v7  }
0x101: {  	v4 =	vadd.f32 v8, v4;
	v8 =	vld [tilespmem:s8+$0xFFFFFF90];
	[tilespmem:s29+$0x0] =	vst v3  }
0x102: {  	v3 =	vld [tilespmem:s7+$0x10];
	[tilespmem:s29+$0xFFFFFF00] =	vst v7  }
0x103: {  	v53 =	vld [tilespmem:s7+$0xFFFFFF10]  }
0x104: {  	v6 =	vmul.f32 $1.131370830e+01, v6;
	v54 =	vld [tilespmem:s8+$0x10]  }
0x105: {  	v5 =	vmul.f32 $1.131370830e+01, v5;
	v11 =	vld [tilespmem:s8+$0xFFFFFF10]  }
0x106: {  	v57 =	vld [tilespmem:s9+$0xFFFFFFE0];
	[tilespmem:s28+$0xE0] =	vst v1;
	v6 =	vadd.f32 v10, v6  }
0x107: {  	[tilespmem:s28+$0x50] =	vst v4;
	v1 =	vld [tilespmem:s26+$0xF0];
	v3 =	vmul.f32 $1.131370830e+01, v3;
	v5 =	vadd.f32 v8, v5  }
0x108: {  	v2 =	vld [tilespmem:s9+$0xF0];
	[tilespmem:s29+$0x90] =	vst v6;
	v10 =	vmul.f32 $1.131370830e+01, v53  }
0x109: {  	v4 =	vld [tilespmem:s7+$0xA0];
	v3 =	vadd.f32 v54, v3;
	[tilespmem:s29+$0xFFFFFF90] =	vst v5  }
0x10a: {  	v5 =	vld [tilespmem:s7+$0xFFFFFFA0];
	v6 =	vadd.f32 v11, v10  }
0x10b: {  	[tilespmem:s29+$0x10] =	vst v3;
	v11 =	vld [tilespmem:s8+$0xA0]  }
0x10c: {  	v3 =	vld [tilespmem:s7+$0x20];
	[tilespmem:s29+$0xFFFFFF10] =	vst v6  }
0x10d: {  	v8 =	vld [tilespmem:s7+$0xFFFFFF20]  }
0x10e: {  	v4 =	vmul.f32 $1.131370830e+01, v4;
	v56 =	vld [tilespmem:s8+$0x20]  }
0x10f: {  	v55 =	vld [tilespmem:s8+$0xFFFFFF20]  }
0x110: {  	v7 =	vld [tilespmem:s26+$0xFFFFFFE0];
	v4 =	vadd.f32 v11, v4  }
0x111: {  	v3 =	vmul.f32 $1.131370830e+01, v3;
	v11 =	vld [tilespmem:s8+$0xFFFFFFA0]  }
0x112: {  	v10 =	vld [tilespmem:s26+$0x60];
	[tilespmem:s29+$0xA0] =	vst v4;
	v8 =	vmul.f32 $1.131370830e+01, v8  }
0x113: {  	v3 =	vadd.f32 v56, v3;
	v4 =	vld [tilespmem:s7+$0xB0]  }
0x114: {  	v5 =	vmul.f32 $1.131370830e+01, v5;
	v6 =	vld [tilespmem:s9+$0xFFFFFF60];
	v8 =	vadd.f32 v55, v8  }
0x115: {  	[tilespmem:s29+$0x20] =	vst v3;
	v58 =	vld [tilespmem:s8+$0xB0]  }
0x116: {  	v59 =	vld [tilespmem:s7+$0x30];
	v5 =	vadd.f32 v11, v5;
	[tilespmem:s29+$0xFFFFFF20] =	vst v8  }
0x117: {  	v11 =	vld [tilespmem:s7+$0xFFFFFF30]  }
0x118: {  	[tilespmem:s29+$0xFFFFFFA0] =	vst v5;
	v5 =	vld [tilespmem:s8+$0xFFFFFF30];
	v4 =	vmul.f32 $1.131370830e+01, v4  }
0x119: {  	v9 =	vmul.f32 $1.131370830e+01, v9;
	v3 =	vld [tilespmem:s7+$0xFFFFFFB0]  }
0x11a: {  	v8 =	vld [tilespmem:s9+$0x60];
	v4 =	vadd.f32 v58, v4  }
0x11b: {  	v7 =	vmul.f32 $1.131370830e+01, v7;
	v6 =	vadd.f32 v6, v9;
	v9 =	vld [tilespmem:s8+$0xFFFFFFB0]  }
0x11c: {  	[tilespmem:s29+$0xB0] =	vst v4;
	v4 =	vld [tilespmem:s8+$0x30];
	v11 =	vmul.f32 $1.131370830e+01, v11  }
0x11d: {  	[tilespmem:s28+$0xFFFFFF60] =	vst v6;
	v6 =	vadd.f32 v57, v7;
	v7 =	vld [tilespmem:s7+$0xC0]  }
0x11e: {  	v3 =	vmul.f32 $1.131370830e+01, v3;
	v60 =	vld [tilespmem:s8+$0xC0];
	v5 =	vadd.f32 v5, v11  }
0x11f: {  	[tilespmem:s28+$0xFFFFFFE0] =	vst v6;
	v6 =	vmul.f32 $1.131370830e+01, v59;
	v11 =	vld [tilespmem:s26+$0xFFFFFF70]  }
0x120: {  	v3 =	vadd.f32 v9, v3;
	v9 =	vld [tilespmem:s26+$0xFFFFFFF0];
	[tilespmem:s29+$0xFFFFFF30] =	vst v5  }
0x121: {  	v4 =	vadd.f32 v4, v6;
	v5 =	vld [tilespmem:s7+$0xFFFFFF40]  }
0x122: {  	[tilespmem:s29+$0xFFFFFFB0] =	vst v3;
	v6 =	vld [tilespmem:s8+$0xFFFFFF40];
	v3 =	vmul.f32 $1.131370830e+01, v7  }
0x123: {  	v7 =	vmul.f32 $1.131370830e+01, v10;
	v10 =	vld [tilespmem:s7+$0xFFFFFFC0];
	[tilespmem:s29+$0x30] =	vst v4  }
0x124: {  	v4 =	vld [tilespmem:s7+$0x40];
	v3 =	vadd.f32 v60, v3  }
0x125: {  	v7 =	vadd.f32 v8, v7;
	v8 =	vld [tilespmem:s8+$0xFFFFFFC0]  }
0x126: {  	v61 =	vld [tilespmem:s8+$0x40];
	[tilespmem:s29+$0xC0] =	vst v3;
	v5 =	vmul.f32 $1.131370830e+01, v5  }
0x127: {  	v3 =	vld [tilespmem:s7+$0xD0]  }
0x128: {  	[tilespmem:s28+$0x60] =	vst v7;
	v7 =	vld [tilespmem:s8+$0xD0];
	v5 =	vadd.f32 v6, v5;
	v6 =	vmul.f32 $1.131370830e+01, v10  }
0x129: {  	v10 =	vld [tilespmem:s26+$0x70];
	v4 =	vmul.f32 $1.131370830e+01, v4  }
0x12a: {  	[tilespmem:s29+$0xFFFFFF40] =	vst v5;
	v5 =	vadd.f32 v8, v6;
	v6 =	vld [tilespmem:s9+$0xFFFFFF70]  }
0x12b: {  	v4 =	vadd.f32 v61, v4;
	v8 =	vld [tilespmem:s7+$0xFFFFFF50]  }
0x12c: {  	v62 =	vld [tilespmem:s8+$0xFFFFFF50];
	v3 =	vmul.f32 $1.131370830e+01, v3;
	[tilespmem:s29+$0xFFFFFFC0] =	vst v5  }
0x12d: {  	[tilespmem:s29+$0x40] =	vst v4;
	v63 =	vld [tilespmem:s7+$0xFFFFFFD0]  }
0x12e: {  	v1 =	vmul.f32 $1.131370830e+01, v1;
	v4 =	vld [tilespmem:s7+$0x50];
	v3 =	vadd.f32 v7, v3  }
0x12f: {  	v5 =	vmul.f32 $1.131370830e+01, v11;
	v11 =	vld [tilespmem:s8+$0xFFFFFFD0]  }
0x130: {  	v1 =	vadd.f32 v2, v1;
	v7 =	vld [tilespmem:s8+$0x50];
	[tilespmem:s29+$0xD0] =	vst v3;
	v2 =	vmul.f32 $1.131370830e+01, v8  }
0x131: {  	v6 =	vadd.f32 v6, v5;
	v5 =	vld [tilespmem:s7+$0xE0]  }
0x132: {  	[tilespmem:s28+$0xF0] =	vst v1;
	v3 =	vld [tilespmem:s9+$0xFFFFFFF0];
	v12 =	vadd.f32 v62, v2;
	v13 =	vmul.f32 $1.131370830e+01, v63  }
0x133: {  	s13 =	simm.s32 $0x6100;
	[tilespmem:s28+$0xFFFFFF70] =	vst v6;
	v6 =	vld [tilespmem:s8+$0xE0];
	v8 =	vmul.f32 $1.131370830e+01, v4  }
0x134: {  	s11 =	simm.s32 $0x4;
	v1 =	vmul.f32 $1.131370830e+01, v9;
	s26 =	sshll.u32 s25, $0xA;
	v2 =	vmul.f32 $1.131370830e+01, v10;
	v4 =	vld [tilespmem:s9+$0x70];
	s9 =	simm.s32 $0xDF00;
	[tilespmem:s29+$0xFFFFFF50] =	vst v12;
	v9 =	vadd.f32 v11, v13  }
.LBB2_7:
0x135: {  	v10 =	vld [tilespmem:s13+$0x80];
	s11 =	sadd.s32 $0x4, s11;
	v7 =	vadd.f32 v7, v8  }
0x136: {  	s8 =	sadd.s32 $0x200, s8;
	v8 =	vld [tilespmem:s13+$0xFFFFFF80];
	p0 =	slt.u32 s11, $0x7C;
	[tilespmem:s29+$0xFFFFFFD0] =	vst v9;
	v5 =	vmul.f32 $1.131370830e+01, v5  }
0x137: {  	v9 =	vld [tilespmem:s8+$0x80];
	[tilespmem:s29+$0x50] =	vst v7;
	v1 =	vadd.f32 v3, v1  }
0x138: {  	v3 =	vld [tilespmem:s13+$0x0];
	v5 =	vadd.f32 v6, v5  }
0x139: {  	v6 =	vld [tilespmem:s13+$0xFFFFFF00];
	[tilespmem:s28+$0xFFFFFFF0] =	vst v1;
	v1 =	vadd.f32 v4, v2  }
0x13a: {  	v2 =	vld [tilespmem:s8+$0xFFFFFF00];
	v4 =	vmul.f32 $1.131370830e+01, v10;
	[tilespmem:s29+$0xE0] =	vst v5  }
0x13b: {  	v5 =	vmul.f32 $1.131370830e+01, v8;
	v7 =	vld [tilespmem:s7+$0xF0];
	[tilespmem:s28+$0x70] =	vst v1;
	s28 =	smov.u32 s29  }
0x13c: {  	v1 =	vld [tilespmem:s8+$0xFFFFFF80];
	v4 =	vadd.f32 v9, v4  }
0x13d: {  	s29 =	sadd.s32 $0x200, s29;
	v3 =	vmul.f32 $1.131370830e+01, v3;
	v8 =	vld [tilespmem:s9+$0xF0]  }
0x13e: {  	v6 =	vmul.f32 $1.131370830e+01, v6;
	v9 =	vld [tilespmem:s8+$0x0];
	[tilespmem:s29+$0x80] =	vst v4  }
0x13f: {  	v4 =	vld [tilespmem:s13+$0x90]  }
0x140: {  	v2 =	vadd.f32 v2, v6;
	v6 =	vld [tilespmem:s7+$0xFFFFFF60];
	v7 =	vmul.f32 $1.131370830e+01, v7  }
0x141: {  	v1 =	vadd.f32 v1, v5;
	v5 =	vld [tilespmem:s8+$0x90]  }
0x142: {  	[tilespmem:s29+$0xFFFFFF00] =	vst v2;
	v2 =	vld [tilespmem:s7+$0xFFFFFFE0];
	v7 =	vadd.f32 v8, v7  }
0x143: {  	v8 =	vld [tilespmem:s13+$0xFFFFFF10];
	[tilespmem:s29+$0xFFFFFF80] =	vst v1;
	v1 =	vadd.f32 v9, v3  }
0x144: {  	v3 =	vld [tilespmem:s13+$0xFFFFFF90];
	v4 =	vmul.f32 $1.131370830e+01, v4;
	[tilespmem:s28+$0xF0] =	vst v7  }
0x145: {  	v7 =	vld [tilespmem:s8+$0xFFFFFF10];
	[tilespmem:s29+$0x0] =	vst v1;
	v1 =	vmul.f32 $1.131370830e+01, v6  }
0x146: {  	v6 =	vld [tilespmem:s13+$0x10];
	v4 =	vadd.f32 v5, v4  }
0x147: {  	v5 =	vld [tilespmem:s8+$0xFFFFFF90];
	v2 =	vmul.f32 $1.131370830e+01, v2  }
0x148: {  	v8 =	vmul.f32 $1.131370830e+01, v8;
	v9 =	vld [tilespmem:s8+$0x10];
	[tilespmem:s29+$0x90] =	vst v4  }
0x149: {  	v3 =	vmul.f32 $1.131370830e+01, v3;
	v4 =	vld [tilespmem:s13+$0xA0]  }
0x14a: {  	v7 =	vadd.f32 v7, v8;
	v8 =	vld [tilespmem:s7+$0x60]  }
0x14b: {  	v6 =	vmul.f32 $1.131370830e+01, v6;
	v10 =	vld [tilespmem:s8+$0xA0]  }
0x14c: {  	[tilespmem:s29+$0xFFFFFF10] =	vst v7;
	v3 =	vadd.f32 v5, v3;
	v5 =	vld [tilespmem:s9+$0xFFFFFF60]  }
0x14d: {  	v7 =	vld [tilespmem:s13+$0xFFFFFF20];
	v6 =	vadd.f32 v9, v6  }
0x14e: {  	v9 =	vld [tilespmem:s8+$0xFFFFFF20];
	[tilespmem:s29+$0xFFFFFF90] =	vst v3;
	v3 =	vmul.f32 $1.131370830e+01, v4  }
0x14f: {  	v4 =	vld [tilespmem:s13+$0xFFFFFFA0];
	[tilespmem:s29+$0x10] =	vst v6;
	v6 =	vmul.f32 $1.131370830e+01, v8  }
0x150: {  	v8 =	vld [tilespmem:s13+$0x20];
	v3 =	vadd.f32 v10, v3  }
0x151: {  	v10 =	vld [tilespmem:s8+$0xFFFFFFA0];
	v1 =	vadd.f32 v5, v1  }
0x152: {  	v5 =	vmul.f32 $1.131370830e+01, v7;
	v7 =	vld [tilespmem:s8+$0x20];
	[tilespmem:s29+$0xA0] =	vst v3  }
0x153: {  	v3 =	vld [tilespmem:s13+$0xB0];
	[tilespmem:s28+$0xFFFFFF60] =	vst v1  }
0x154: {  	v1 =	vadd.f32 v9, v5;
	v4 =	vmul.f32 $1.131370830e+01, v4;
	v5 =	vld [tilespmem:s9+$0xFFFFFFE0]  }
0x155: {  	v8 =	vmul.f32 $1.131370830e+01, v8;
	v9 =	vld [tilespmem:s8+$0xB0]  }
0x156: {  	[tilespmem:s29+$0xFFFFFF20] =	vst v1;
	v1 =	vadd.f32 v10, v4;
	v4 =	vld [tilespmem:s9+$0x60]  }
0x157: {  	v10 =	vld [tilespmem:s13+$0xFFFFFF30];
	v7 =	vadd.f32 v7, v8  }
0x158: {  	v8 =	vld [tilespmem:s8+$0xFFFFFF30];
	[tilespmem:s29+$0xFFFFFFA0] =	vst v1;
	v1 =	vmul.f32 $1.131370830e+01, v3  }
0x159: {  	v3 =	vld [tilespmem:s13+$0xFFFFFFB0];
	[tilespmem:s29+$0x20] =	vst v7;
	v2 =	vadd.f32 v5, v2  }
0x15a: {  	v5 =	vld [tilespmem:s13+$0x30];
	v1 =	vadd.f32 v9, v1  }
0x15b: {  	v7 =	vld [tilespmem:s8+$0xFFFFFFB0];
	[tilespmem:s28+$0xFFFFFFE0] =	vst v2;
	v2 =	vadd.f32 v4, v6  }
0x15c: {  	v4 =	vmul.f32 $1.131370830e+01, v10;
	v6 =	vld [tilespmem:s8+$0x30];
	[tilespmem:s29+$0xB0] =	vst v1  }
0x15d: {  	v1 =	vld [tilespmem:s13+$0xC0];
	[tilespmem:s28+$0x60] =	vst v2  }
0x15e: {  	v2 =	vadd.f32 v8, v4;
	v3 =	vmul.f32 $1.131370830e+01, v3;
	v4 =	vld [tilespmem:s7+$0xFFFFFF70]  }
0x15f: {  	v5 =	vmul.f32 $1.131370830e+01, v5;
	v8 =	vld [tilespmem:s8+$0xC0]  }
0x160: {  	[tilespmem:s29+$0xFFFFFF30] =	vst v2;
	v2 =	vadd.f32 v7, v3;
	v3 =	vld [tilespmem:s7+$0xFFFFFFF0]  }
0x161: {  	v7 =	vld [tilespmem:s13+$0xFFFFFF40];
	v5 =	vadd.f32 v6, v5  }
0x162: {  	v6 =	vld [tilespmem:s8+$0xFFFFFF40];
	[tilespmem:s29+$0xFFFFFFB0] =	vst v2;
	v1 =	vmul.f32 $1.131370830e+01, v1  }
0x163: {  	v2 =	vld [tilespmem:s13+$0xFFFFFFC0];
	[tilespmem:s29+$0x30] =	vst v5;
	v4 =	vmul.f32 $1.131370830e+01, v4  }
0x164: {  	v5 =	vld [tilespmem:s13+$0x40];
	v8 =	vadd.f32 v8, v1  }
0x165: {  	v9 =	vld [tilespmem:s8+$0xFFFFFFC0];
	v1 =	vmul.f32 $1.131370830e+01, v3  }
0x166: {  	v3 =	vmul.f32 $1.131370830e+01, v7;
	v7 =	vld [tilespmem:s8+$0x40];
	[tilespmem:s29+$0xC0] =	vst v8  }
0x167: {  	v8 =	vld [tilespmem:s13+$0xD0]  }
0x168: {  	v3 =	vadd.f32 v6, v3;
	v2 =	vmul.f32 $1.131370830e+01, v2;
	v6 =	vld [tilespmem:s7+$0x70];
	s7 =	smov.u32 s13  }
0x169: {  	v5 =	vmul.f32 $1.131370830e+01, v5;
	v10 =	vld [tilespmem:s8+$0xD0]  }
0x16a: {  	[tilespmem:s29+$0xFFFFFF40] =	vst v3;
	v2 =	vadd.f32 v9, v2;
	v3 =	vld [tilespmem:s9+$0xFFFFFF70]  }
0x16b: {  	v9 =	vld [tilespmem:s13+$0xFFFFFF50];
	v5 =	vadd.f32 v7, v5  }
0x16c: {  	v11 =	vld [tilespmem:s8+$0xFFFFFF50];
	[tilespmem:s29+$0xFFFFFFC0] =	vst v2;
	v7 =	vmul.f32 $1.131370830e+01, v8  }
0x16d: {  	v8 =	vld [tilespmem:s13+$0xFFFFFFD0];
	[tilespmem:s29+$0x40] =	vst v5;
	v2 =	vmul.f32 $1.131370830e+01, v6  }
0x16e: {  	v6 =	vld [tilespmem:s13+$0x50];
	v5 =	vadd.f32 v10, v7  }
0x16f: {  	v10 =	vld [tilespmem:s8+$0xFFFFFFD0];
	v3 =	vadd.f32 v3, v4  }
.Ltmp2:
0x170: {  	v4 =	vmul.f32 $1.131370830e+01, v9;
	v7 =	vld [tilespmem:s8+$0x50];
	[tilespmem:s29+$0xD0] =	vst v5;
	(pc) =	sbr.rel @p0 .LBB2_7-.Ltmp2, $4  }
0x171: {  	v5 =	vld [tilespmem:s13+$0xE0];
	[tilespmem:s28+$0xFFFFFF70] =	vst v3  }
0x172: {  	v4 =	vadd.f32 v11, v4;
	v9 =	vmul.f32 $1.131370830e+01, v8;
	v3 =	vld [tilespmem:s9+$0xFFFFFFF0]  }
0x173: {  	v8 =	vmul.f32 $1.131370830e+01, v6;
	v6 =	vld [tilespmem:s8+$0xE0]  }
0x174: {  	s13 =	sadd.s32 $0x200, s13;
	[tilespmem:s29+$0xFFFFFF50] =	vst v4;
	v9 =	vadd.f32 v10, v9;
	v4 =	vld [tilespmem:s9+$0x70];
	s9 =	smov.u32 s8  }
0x175: {  	v7 =	vadd.f32 v7, v8;
	v8 =	vld [tilespmem:s7+$0xFFFFFF60]  }
0x176: {  	v10 =	vld [tilespmem:s9+$0xFFFFFF60];
	[tilespmem:s29+$0xFFFFFFD0] =	vst v9  }
0x177: {  	[tilespmem:s29+$0x50] =	vst v7;
	v7 =	vld [tilespmem:s7+$0xFFFFFFE0]  }
0x178: {  	v5 =	vmul.f32 $1.131370830e+01, v5;
	v9 =	vld [tilespmem:s7+$0x60]  }
0x179: {  	v11 =	vld [tilespmem:s9+$0xFFFFFFE0]  }
0x17a: {  	v12 =	vld [tilespmem:s9+$0x60];
	v5 =	vadd.f32 v6, v5;
	v6 =	vmul.f32 $1.131370830e+01, v8;
	_ =	sdelay $0x1  }
0x17b: {  	[tilespmem:s29+$0xE0] =	vst v5;
	v7 =	vmul.f32 $1.131370830e+01, v7;
	v6 =	vadd.f32 v10, v6  }
0x17c: {  	v8 =	vld [tilespmem:s7+$0xF0];
	v5 =	vmul.f32 $1.131370830e+01, v9  }
0x17d: {  	v9 =	vld [tilespmem:s9+$0xF0];
	v7 =	vadd.f32 v11, v7;
	[tilespmem:s29+$0xFFFFFF60] =	vst v6  }
0x17e: {  	v5 =	vadd.f32 v12, v5;
	v6 =	vld [tilespmem:s7+$0xFFFFFF70]  }
0x17f: {  	v10 =	vld [tilespmem:s9+$0xFFFFFF70];
	[tilespmem:s29+$0xFFFFFFE0] =	vst v7  }
0x180: {  	[tilespmem:s29+$0x60] =	vst v5;
	v5 =	vld [tilespmem:s7+$0xFFFFFFF0]  }
0x181: {  	v7 =	vld [tilespmem:s7+$0x70]  }
0x182: {  	v11 =	vld [tilespmem:s9+$0xFFFFFFF0]  }
0x183: {  	v1 =	vadd.f32 v3, v1;
	v3 =	vmul.f32 $1.131370830e+01, v8;
	v8 =	vld [tilespmem:s9+$0x70]  }
0x184: {  	v2 =	vadd.f32 v4, v2;
	v4 =	vmul.f32 $1.131370830e+01, v6  }
0x185: {  	[tilespmem:s28+$0xFFFFFFF0] =	vst v1;
	v1 =	vadd.f32 v9, v3;
	v3 =	vmul.f32 $1.131370830e+01, v5  }
0x186: {  	[tilespmem:s28+$0x70] =	vst v2;
	v4 =	vadd.f32 v10, v4;
	v2 =	vmul.f32 $1.131370830e+01, v7  }
0x187: {  	[tilespmem:s29+$0xF0] =	vst v1;
	v1 =	vadd.f32 v11, v3  }
0x188: {  	p0 =	seq.s32 s25, $0x18;
	[tilespmem:s29+$0xFFFFFF70] =	vst v4;
	v2 =	vadd.f32 v8, v2  }
0x189: {  	s7 =	sadd.s32 @!p0 $0x400, s26;
	[tilespmem:s29+$0xFFFFFFF0] =	vst v1  }
0x18a: {  	s8 =	simm.s32 @!p0 $0x40;
	s9 =	simm.s32 @!p0 $0x5C00;
	s7 =	sshra.s32 @!p0 s7, $0x2;
	[tilespmem:s29+$0x70] =	vst v2  }
0x18b: {  	[tilespmem:s9], [sflag:$0x1] =	stream.indirect.gather @!p0 [hbm4b:s1+s8], $0x80, s7, s8, $0xb8;
	[tilespmem:$0x1DC00] =	vst v63  }
0x18c: {  	s11 =	simm.s32 @!p0 $0x7C00;
	s9 =	sadd.s32 @!p0 $0x40, s7;
	s7 =	sadd.s32 @!p0 $0x3200, s7  }
0x18d: {  	[tilespmem:s11], [sflag:$0x3] =	stream.indirect.gather @!p0 [hbm4b:s1+s8], $0x80, s9, s8, $0xb8;
	[tilespmem:$0x1DC00] =	vst v63  }
0x18e: {  	s8 =	simm.s32 @!p0 $0x80;
	s9 =	simm.s32 @!p0 $0xDC00;
	s11 =	sshll.u32 s25, $0xF  }
0x18f: {  	[tilespmem:s9], [sflag:$0x5] =	stream.indirect.gather @!p0 [spmem:s5], $0x80, s7, s8, $0xb8;
	[tilespmem:$0x1DC00] =	vst v63  }
0x190: {  	s7 =	sadd.s32 s12, s11  }
0x191: {  	s7 =	sshrl.u32 s7, $0x3  }
0x192: {  	s7 =	sadd.s32 s4, s7  }
0x193: {  	[hbm4b:s7+s6] =	stream.linear.scatter [tilespmem:s0], [sflag:$0x7], $0x4000, $0x38;
	[tilespmem:$0x1DC00] =	vst v63  }
0x194: {  	_ =	swait.ge [sflag:s2], $0x2000  }
0x195: {  	[sflag:s2] =	ssyncset.done $0x0  }
0x196: {  	[sflag:s2] =	ssyncadd.s32 $0xFFFFE000  }
0x197: {  	_ =	swait.ge [sflag:s16], $0x2000  }
0x198: {  	[sflag:s16] =	ssyncset.done $0x0  }
0x199: {  	[sflag:s16] =	ssyncadd.s32 $0xFFFFE000  }
0x19a: {  	_ =	swait.ge [sflag:s17], $0x4000  }
0x19b: {  	[sflag:s17] =	ssyncset.done $0x0  }
0x19c: {  	s7 =	simm.s32 @!p1 $0x8;
	[sflag:s17] =	ssyncadd.s32 $0xFFFFC000  }
0x19d: {  	_ =	swait.ge @!p1 [sflag:s7], $0x4000  }
0x19e: {  	[sflag:s7] =	ssyncset.done @!p1 $0x0  }
0x19f: {  	s13 =	simm.s32 $0x9D00;
	[sflag:s7] =	ssyncadd.s32 @!p1 $0xFFFFC000  }
0x1a0: {  	v1 =	vld [tilespmem:s13+$0x80]  }
0x1a1: {  	s9 =	simm.s32 $0x11D00  }
0x1a2: {  	v2 =	vld [tilespmem:s9+$0x80]  }
0x1a3: {  	v3 =	vld [tilespmem:s13+$0xFFFFFF80]  }
0x1a4: {  	v4 =	vld [tilespmem:s13+$0xFFFFFF00]  }
0x1a5: {  	v5 =	vld [tilespmem:s13+$0x0];
	v1 =	vmul.f32 $1.131370830e+01, v1  }
0x1a6: {  	v6 =	vld [tilespmem:s9+$0xFFFFFF00]  }
0x1a7: {  	v7 =	vld [tilespmem:s9+$0xFFFFFF80];
	v1 =	vadd.f32 v2, v1  }
0x1a8: {  	s28 =	simm.s32 $0x19D00  }
0x1a9: {  	v2 =	vmul.f32 $1.131370830e+01, v4;
	v4 =	vld [tilespmem:s9+$0x0];
	[tilespmem:s28+$0x80] =	vst v1  }
0x1aa: {  	v1 =	vmul.f32 $1.131370830e+01, v3;
	v3 =	vld [tilespmem:s13+$0x90]  }
0x1ab: {  	v2 =	vadd.f32 v6, v2  }
0x1ac: {  	v5 =	vmul.f32 $1.131370830e+01, v5;
	v6 =	vld [tilespmem:s9+$0x90];
	v1 =	vadd.f32 v7, v1  }
0x1ad: {  	[tilespmem:s28+$0xFFFFFF00] =	vst v2  }
0x1ae: {  	v2 =	vld [tilespmem:s13+$0xFFFFFF10];
	[tilespmem:s28+$0xFFFFFF80] =	vst v1;
	v1 =	vadd.f32 v4, v5  }
0x1af: {  	v5 =	vld [tilespmem:s9+$0xFFFFFF10];
	v3 =	vmul.f32 $1.131370830e+01, v3  }
0x1b0: {  	v4 =	vld [tilespmem:s13+$0xFFFFFF90];
	[tilespmem:s28+$0x0] =	vst v1  }
0x1b1: {  	v1 =	vld [tilespmem:s13+$0x10];
	v3 =	vadd.f32 v6, v3  }
0x1b2: {  	v6 =	vld [tilespmem:s9+$0xFFFFFF90]  }
0x1b3: {  	v7 =	vld [tilespmem:s9+$0x10];
	v2 =	vmul.f32 $1.131370830e+01, v2;
	[tilespmem:s28+$0x90] =	vst v3  }
0x1b4: {  	v3 =	vld [tilespmem:s13+$0xA0]  }
0x1b5: {  	v4 =	vmul.f32 $1.131370830e+01, v4;
	v2 =	vadd.f32 v5, v2  }
0x1b6: {  	v5 =	vld [tilespmem:s9+$0xA0]  }
0x1b7: {  	v1 =	vmul.f32 $1.131370830e+01, v1;
	[tilespmem:s28+$0xFFFFFF10] =	vst v2;
	v2 =	vadd.f32 v6, v4;
	_ =	sdelay $0x1  }
0x1b8: {  	v4 =	vld [tilespmem:s13+$0xFFFFFF20];
	v1 =	vadd.f32 v7, v1;
	[tilespmem:s28+$0xFFFFFF90] =	vst v2;
	v2 =	vmul.f32 $1.131370830e+01, v3  }
0x1b9: {  	v6 =	vld [tilespmem:s9+$0xFFFFFF20]  }
0x1ba: {  	v3 =	vld [tilespmem:s13+$0xFFFFFFA0];
	[tilespmem:s28+$0x10] =	vst v1;
	v2 =	vadd.f32 v5, v2  }
0x1bb: {  	v1 =	vld [tilespmem:s13+$0x20]  }
0x1bc: {  	v7 =	vld [tilespmem:s9+$0x20];
	[tilespmem:s28+$0xA0] =	vst v2  }
0x1bd: {  	v4 =	vmul.f32 $1.131370830e+01, v4;
	v2 =	vld [tilespmem:s13+$0xB0]  }
0x1be: {  	v5 =	vld [tilespmem:s9+$0xFFFFFFA0]  }
0x1bf: {  	v4 =	vadd.f32 v6, v4;
	v6 =	vld [tilespmem:s9+$0xB0]  }
0x1c0: {  	v1 =	vmul.f32 $1.131370830e+01, v1  }
0x1c1: {  	[tilespmem:s28+$0xFFFFFF20] =	vst v4  }
0x1c2: {  	v3 =	vmul.f32 $1.131370830e+01, v3;
	v4 =	vld [tilespmem:s13+$0xFFFFFF30];
	v1 =	vadd.f32 v7, v1;
	v2 =	vmul.f32 $1.131370830e+01, v2;
	_ =	sdelay $0x1  }
0x1c3: {  	v3 =	vadd.f32 v5, v3;
	v5 =	vld [tilespmem:s9+$0xFFFFFF30];
	[tilespmem:s28+$0x20] =	vst v1;
	v2 =	vadd.f32 v6, v2  }
0x1c4: {  	v1 =	vld [tilespmem:s13+$0x30]  }
0x1c5: {  	v7 =	vld [tilespmem:s9+$0x30];
	[tilespmem:s28+$0xB0] =	vst v2  }
0x1c6: {  	[tilespmem:s28+$0xFFFFFFA0] =	vst v3;
	v2 =	vmul.f32 $1.131370830e+01, v4;
	v4 =	vld [tilespmem:s13+$0xC0]  }
0x1c7: {  	v3 =	vld [tilespmem:s13+$0xFFFFFFB0]  }
0x1c8: {  	v2 =	vadd.f32 v5, v2;
	v5 =	vld [tilespmem:s9+$0xC0]  }
0x1c9: {  	v6 =	vld [tilespmem:s9+$0xFFFFFFB0];
	v1 =	vmul.f32 $1.131370830e+01, v1;
	_ =	sdelay $0x1  }
0x1ca: {  	v1 =	vadd.f32 v7, v1;
	v4 =	vmul.f32 $1.131370830e+01, v4  }
0x1cb: {  	s7 =	simm.s32 $0x9F00;
	v3 =	vmul.f32 $1.131370830e+01, v3;
	[tilespmem:s28+$0xFFFFFF30] =	vst v2  }
0x1cc: {  	v9 =	vld [tilespmem:s7+$0x80];
	[tilespmem:s28+$0x30] =	vst v1;
	v1 =	vadd.f32 v5, v4  }
0x1cd: {  	v2 =	vadd.f32 v6, v3;
	v3 =	vld [tilespmem:s13+$0xFFFFFF40]  }
0x1ce: {  	v6 =	vld [tilespmem:s9+$0xFFFFFF40];
	[tilespmem:s28+$0xC0] =	vst v1  }
0x1cf: {  	[tilespmem:s28+$0xFFFFFFB0] =	vst v2;
	v1 =	vld [tilespmem:s13+$0xD0]  }
0x1d0: {  	v2 =	vld [tilespmem:s13+$0xFFFFFFC0]  }
0x1d1: {  	v8 =	vld [tilespmem:s9+$0xD0]  }
0x1d2: {  	v5 =	vld [tilespmem:s9+$0xFFFFFFC0];
	v3 =	vmul.f32 $1.131370830e+01, v3  }
0x1d3: {  	v10 =	vld [tilespmem:s7+$0xFFFFFF80]  }
0x1d4: {  	s8 =	simm.s32 $0x11F00;
	v4 =	vld [tilespmem:s13+$0x40];
	v3 =	vadd.f32 v6, v3;
	v1 =	vmul.f32 $1.131370830e+01, v1  }
0x1d5: {  	v11 =	vld [tilespmem:s8+$0x80];
	v2 =	vmul.f32 $1.131370830e+01, v2  }
0x1d6: {  	v7 =	vld [tilespmem:s9+$0x40];
	[tilespmem:s28+$0xFFFFFF40] =	vst v3;
	v1 =	vadd.f32 v8, v1  }
0x1d7: {  	v2 =	vadd.f32 v5, v2;
	v3 =	vld [tilespmem:s13+$0xFFFFFF50]  }
0x1d8: {  	v5 =	vld [tilespmem:s9+$0xFFFFFF50];
	[tilespmem:s28+$0xD0] =	vst v1  }
0x1d9: {  	v4 =	vmul.f32 $1.131370830e+01, v4;
	[tilespmem:s28+$0xFFFFFFC0] =	vst v2;
	v1 =	vld [tilespmem:s13+$0xE0]  }
0x1da: {  	v2 =	vld [tilespmem:s13+$0xFFFFFFD0]  }
0x1db: {  	v4 =	vadd.f32 v7, v4;
	v7 =	vld [tilespmem:s9+$0xE0]  }
0x1dc: {  	v52 =	vld [tilespmem:s7+$0x0]  }
0x1dd: {  	v9 =	vmul.f32 $1.131370830e+01, v9;
	v6 =	vld [tilespmem:s9+$0xFFFFFFD0]  }
0x1de: {  	v14 =	vld [tilespmem:s8+$0xFFFFFF80];
	v3 =	vmul.f32 $1.131370830e+01, v3;
	v1 =	vmul.f32 $1.131370830e+01, v1  }
0x1df: {  	v9 =	vadd.f32 v11, v9;
	v11 =	vld [tilespmem:s8+$0x0]  }
0x1e0: {  	[tilespmem:s28+$0x40] =	vst v4;
	v3 =	vadd.f32 v5, v3;
	v5 =	vmul.f32 $1.131370830e+01, v2;
	v1 =	vadd.f32 v7, v1;
	v7 =	vld [tilespmem:s7+$0xFFFFFF00]  }
0x1e1: {  	v4 =	vld [tilespmem:s13+$0x50]  }
0x1e2: {  	s29 =	simm.s32 $0x19F00;
	v13 =	vld [tilespmem:s8+$0xFFFFFF00];
	[tilespmem:s28+$0xFFFFFF50] =	vst v3;
	v3 =	vadd.f32 v6, v5;
	v5 =	vmul.f32 $1.131370830e+01, v10  }
0x1e3: {  	[tilespmem:s29+$0x80] =	vst v9;
	v8 =	vld [tilespmem:s9+$0x50]  }
0x1e4: {  	v6 =	vld [tilespmem:s7+$0x90];
	[tilespmem:s28+$0xFFFFFFD0] =	vst v3;
	v3 =	vmul.f32 $1.131370830e+01, v52;
	v5 =	vadd.f32 v14, v5  }
0x1e5: {  	v10 =	vld [tilespmem:s8+$0x90];
	v7 =	vmul.f32 $1.131370830e+01, v7  }
0x1e6: {  	v4 =	vmul.f32 $1.131370830e+01, v4;
	v9 =	vld [tilespmem:s13+$0xFFFFFF60];
	[tilespmem:s29+$0xFFFFFF80] =	vst v5;
	v3 =	vadd.f32 v11, v3  }
0x1e7: {  	v5 =	vld [tilespmem:s7+$0xFFFFFF90];
	v7 =	vadd.f32 v13, v7  }
0x1e8: {  	v4 =	vadd.f32 v8, v4;
	v8 =	vld [tilespmem:s8+$0xFFFFFF90];
	[tilespmem:s29+$0x0] =	vst v3  }
0x1e9: {  	v3 =	vld [tilespmem:s7+$0x10];
	[tilespmem:s29+$0xFFFFFF00] =	vst v7  }
0x1ea: {  	v53 =	vld [tilespmem:s7+$0xFFFFFF10]  }
0x1eb: {  	v6 =	vmul.f32 $1.131370830e+01, v6;
	v54 =	vld [tilespmem:s8+$0x10]  }
0x1ec: {  	v5 =	vmul.f32 $1.131370830e+01, v5;
	v11 =	vld [tilespmem:s8+$0xFFFFFF10]  }
0x1ed: {  	v57 =	vld [tilespmem:s9+$0xFFFFFFE0];
	[tilespmem:s28+$0xE0] =	vst v1;
	v6 =	vadd.f32 v10, v6  }
0x1ee: {  	[tilespmem:s28+$0x50] =	vst v4;
	v1 =	vld [tilespmem:s13+$0xF0];
	v3 =	vmul.f32 $1.131370830e+01, v3;
	v5 =	vadd.f32 v8, v5  }
0x1ef: {  	v2 =	vld [tilespmem:s9+$0xF0];
	[tilespmem:s29+$0x90] =	vst v6;
	v10 =	vmul.f32 $1.131370830e+01, v53  }
0x1f0: {  	v4 =	vld [tilespmem:s7+$0xA0];
	v3 =	vadd.f32 v54, v3;
	[tilespmem:s29+$0xFFFFFF90] =	vst v5  }
0x1f1: {  	v5 =	vld [tilespmem:s7+$0xFFFFFFA0];
	v6 =	vadd.f32 v11, v10  }
0x1f2: {  	[tilespmem:s29+$0x10] =	vst v3;
	v11 =	vld [tilespmem:s8+$0xA0]  }
0x1f3: {  	v3 =	vld [tilespmem:s7+$0x20];
	[tilespmem:s29+$0xFFFFFF10] =	vst v6  }
0x1f4: {  	v8 =	vld [tilespmem:s7+$0xFFFFFF20]  }
0x1f5: {  	v4 =	vmul.f32 $1.131370830e+01, v4;
	v56 =	vld [tilespmem:s8+$0x20]  }
0x1f6: {  	v55 =	vld [tilespmem:s8+$0xFFFFFF20]  }
0x1f7: {  	v7 =	vld [tilespmem:s13+$0xFFFFFFE0];
	v4 =	vadd.f32 v11, v4  }
0x1f8: {  	v3 =	vmul.f32 $1.131370830e+01, v3;
	v11 =	vld [tilespmem:s8+$0xFFFFFFA0]  }
0x1f9: {  	v10 =	vld [tilespmem:s13+$0x60];
	[tilespmem:s29+$0xA0] =	vst v4;
	v8 =	vmul.f32 $1.131370830e+01, v8  }
0x1fa: {  	v3 =	vadd.f32 v56, v3;
	v4 =	vld [tilespmem:s7+$0xB0]  }
0x1fb: {  	v5 =	vmul.f32 $1.131370830e+01, v5;
	v6 =	vld [tilespmem:s9+$0xFFFFFF60];
	v8 =	vadd.f32 v55, v8  }
0x1fc: {  	[tilespmem:s29+$0x20] =	vst v3;
	v58 =	vld [tilespmem:s8+$0xB0]  }
0x1fd: {  	v59 =	vld [tilespmem:s7+$0x30];
	v5 =	vadd.f32 v11, v5;
	[tilespmem:s29+$0xFFFFFF20] =	vst v8  }
0x1fe: {  	v11 =	vld [tilespmem:s7+$0xFFFFFF30]  }
0x1ff: {  	[tilespmem:s29+$0xFFFFFFA0] =	vst v5;
	v5 =	vld [tilespmem:s8+$0xFFFFFF30];
	v4 =	vmul.f32 $1.131370830e+01, v4  }
0x200: {  	v9 =	vmul.f32 $1.131370830e+01, v9;
	v3 =	vld [tilespmem:s7+$0xFFFFFFB0]  }
0x201: {  	v8 =	vld [tilespmem:s9+$0x60];
	v4 =	vadd.f32 v58, v4  }
0x202: {  	v7 =	vmul.f32 $1.131370830e+01, v7;
	v6 =	vadd.f32 v6, v9;
	v9 =	vld [tilespmem:s8+$0xFFFFFFB0]  }
0x203: {  	[tilespmem:s29+$0xB0] =	vst v4;
	v4 =	vld [tilespmem:s8+$0x30];
	v11 =	vmul.f32 $1.131370830e+01, v11  }
0x204: {  	[tilespmem:s28+$0xFFFFFF60] =	vst v6;
	v6 =	vadd.f32 v57, v7;
	v7 =	vld [tilespmem:s7+$0xC0]  }
0x205: {  	v3 =	vmul.f32 $1.131370830e+01, v3;
	v60 =	vld [tilespmem:s8+$0xC0];
	v5 =	vadd.f32 v5, v11  }
0x206: {  	[tilespmem:s28+$0xFFFFFFE0] =	vst v6;
	v6 =	vmul.f32 $1.131370830e+01, v59;
	v11 =	vld [tilespmem:s13+$0xFFFFFF70]  }
0x207: {  	v3 =	vadd.f32 v9, v3;
	v9 =	vld [tilespmem:s13+$0xFFFFFFF0];
	[tilespmem:s29+$0xFFFFFF30] =	vst v5  }
0x208: {  	v4 =	vadd.f32 v4, v6;
	v5 =	vld [tilespmem:s7+$0xFFFFFF40]  }
0x209: {  	[tilespmem:s29+$0xFFFFFFB0] =	vst v3;
	v6 =	vld [tilespmem:s8+$0xFFFFFF40];
	v3 =	vmul.f32 $1.131370830e+01, v7  }
0x20a: {  	v7 =	vmul.f32 $1.131370830e+01, v10;
	v10 =	vld [tilespmem:s7+$0xFFFFFFC0];
	[tilespmem:s29+$0x30] =	vst v4  }
0x20b: {  	v4 =	vld [tilespmem:s7+$0x40];
	v3 =	vadd.f32 v60, v3  }
0x20c: {  	v7 =	vadd.f32 v8, v7;
	v8 =	vld [tilespmem:s8+$0xFFFFFFC0]  }
0x20d: {  	v61 =	vld [tilespmem:s8+$0x40];
	[tilespmem:s29+$0xC0] =	vst v3;
	v5 =	vmul.f32 $1.131370830e+01, v5  }
0x20e: {  	v3 =	vld [tilespmem:s7+$0xD0]  }
0x20f: {  	[tilespmem:s28+$0x60] =	vst v7;
	v7 =	vld [tilespmem:s8+$0xD0];
	v5 =	vadd.f32 v6, v5;
	v6 =	vmul.f32 $1.131370830e+01, v10  }
0x210: {  	v10 =	vld [tilespmem:s13+$0x70];
	v4 =	vmul.f32 $1.131370830e+01, v4  }
0x211: {  	[tilespmem:s29+$0xFFFFFF40] =	vst v5;
	v5 =	vadd.f32 v8, v6;
	v6 =	vld [tilespmem:s9+$0xFFFFFF70]  }
0x212: {  	v4 =	vadd.f32 v61, v4;
	v8 =	vld [tilespmem:s7+$0xFFFFFF50]  }
0x213: {  	v62 =	vld [tilespmem:s8+$0xFFFFFF50];
	v3 =	vmul.f32 $1.131370830e+01, v3;
	[tilespmem:s29+$0xFFFFFFC0] =	vst v5  }
0x214: {  	[tilespmem:s29+$0x40] =	vst v4;
	v63 =	vld [tilespmem:s7+$0xFFFFFFD0]  }
0x215: {  	v1 =	vmul.f32 $1.131370830e+01, v1;
	v4 =	vld [tilespmem:s7+$0x50];
	v3 =	vadd.f32 v7, v3  }
0x216: {  	v5 =	vmul.f32 $1.131370830e+01, v11;
	v11 =	vld [tilespmem:s8+$0xFFFFFFD0]  }
0x217: {  	v1 =	vadd.f32 v2, v1;
	v7 =	vld [tilespmem:s8+$0x50];
	[tilespmem:s29+$0xD0] =	vst v3;
	v2 =	vmul.f32 $1.131370830e+01, v8  }
0x218: {  	v6 =	vadd.f32 v6, v5;
	v5 =	vld [tilespmem:s7+$0xE0]  }
0x219: {  	[tilespmem:s28+$0xF0] =	vst v1;
	v3 =	vld [tilespmem:s9+$0xFFFFFFF0];
	v12 =	vadd.f32 v62, v2;
	v13 =	vmul.f32 $1.131370830e+01, v63  }
0x21a: {  	[tilespmem:s28+$0xFFFFFF70] =	vst v6;
	v6 =	vld [tilespmem:s8+$0xE0];
	v8 =	vmul.f32 $1.131370830e+01, v4  }
0x21b: {  	s11 =	simm.s32 $0x4;
	v1 =	vmul.f32 $1.131370830e+01, v9;
	s13 =	simm.s32 $0xA100;
	v2 =	vmul.f32 $1.131370830e+01, v10;
	v4 =	vld [tilespmem:s9+$0x70];
	s9 =	simm.s32 $0x11F00;
	[tilespmem:s29+$0xFFFFFF50] =	vst v12;
	v9 =	vadd.f32 v11, v13  }
.LBB2_9:
0x21c: {  	v10 =	vld [tilespmem:s13+$0x80];
	s11 =	sadd.s32 $0x4, s11;
	v7 =	vadd.f32 v7, v8  }
0x21d: {  	s8 =	sadd.s32 $0x200, s8;
	v8 =	vld [tilespmem:s13+$0xFFFFFF80];
	p1 =	slt.u32 s11, $0x7C;
	[tilespmem:s29+$0xFFFFFFD0] =	vst v9;
	v5 =	vmul.f32 $1.131370830e+01, v5  }
0x21e: {  	v9 =	vld [tilespmem:s8+$0x80];
	[tilespmem:s29+$0x50] =	vst v7;
	v1 =	vadd.f32 v3, v1  }
0x21f: {  	v3 =	vld [tilespmem:s13+$0x0];
	v5 =	vadd.f32 v6, v5  }
0x220: {  	v6 =	vld [tilespmem:s13+$0xFFFFFF00];
	[tilespmem:s28+$0xFFFFFFF0] =	vst v1;
	v1 =	vadd.f32 v4, v2  }
0x221: {  	v2 =	vld [tilespmem:s8+$0xFFFFFF00];
	v4 =	vmul.f32 $1.131370830e+01, v10;
	[tilespmem:s29+$0xE0] =	vst v5  }
0x222: {  	v5 =	vmul.f32 $1.131370830e+01, v8;
	v7 =	vld [tilespmem:s7+$0xF0];
	[tilespmem:s28+$0x70] =	vst v1;
	s28 =	smov.u32 s29  }
0x223: {  	v1 =	vld [tilespmem:s8+$0xFFFFFF80];
	v4 =	vadd.f32 v9, v4  }
0x224: {  	s29 =	sadd.s32 $0x200, s29;
	v3 =	vmul.f32 $1.131370830e+01, v3;
	v8 =	vld [tilespmem:s9+$0xF0]  }
0x225: {  	v6 =	vmul.f32 $1.131370830e+01, v6;
	v9 =	vld [tilespmem:s8+$0x0];
	[tilespmem:s29+$0x80] =	vst v4  }
0x226: {  	v4 =	vld [tilespmem:s13+$0x90]  }
0x227: {  	v2 =	vadd.f32 v2, v6;
	v6 =	vld [tilespmem:s7+$0xFFFFFF60];
	v7 =	vmul.f32 $1.131370830e+01, v7  }
0x228: {  	v1 =	vadd.f32 v1, v5;
	v5 =	vld [tilespmem:s8+$0x90]  }
0x229: {  	[tilespmem:s29+$0xFFFFFF00] =	vst v2;
	v2 =	vld [tilespmem:s7+$0xFFFFFFE0];
	v7 =	vadd.f32 v8, v7  }
0x22a: {  	v8 =	vld [tilespmem:s13+$0xFFFFFF10];
	[tilespmem:s29+$0xFFFFFF80] =	vst v1;
	v1 =	vadd.f32 v9, v3  }
0x22b: {  	v3 =	vld [tilespmem:s13+$0xFFFFFF90];
	v4 =	vmul.f32 $1.131370830e+01, v4;
	[tilespmem:s28+$0xF0] =	vst v7  }
0x22c: {  	v7 =	vld [tilespmem:s8+$0xFFFFFF10];
	[tilespmem:s29+$0x0] =	vst v1;
	v1 =	vmul.f32 $1.131370830e+01, v6  }
0x22d: {  	v6 =	vld [tilespmem:s13+$0x10];
	v4 =	vadd.f32 v5, v4  }
0x22e: {  	v5 =	vld [tilespmem:s8+$0xFFFFFF90];
	v2 =	vmul.f32 $1.131370830e+01, v2  }
0x22f: {  	v8 =	vmul.f32 $1.131370830e+01, v8;
	v9 =	vld [tilespmem:s8+$0x10];
	[tilespmem:s29+$0x90] =	vst v4  }
0x230: {  	v3 =	vmul.f32 $1.131370830e+01, v3;
	v4 =	vld [tilespmem:s13+$0xA0]  }
0x231: {  	v7 =	vadd.f32 v7, v8;
	v8 =	vld [tilespmem:s7+$0x60]  }
0x232: {  	v6 =	vmul.f32 $1.131370830e+01, v6;
	v10 =	vld [tilespmem:s8+$0xA0]  }
0x233: {  	[tilespmem:s29+$0xFFFFFF10] =	vst v7;
	v3 =	vadd.f32 v5, v3;
	v5 =	vld [tilespmem:s9+$0xFFFFFF60]  }
0x234: {  	v7 =	vld [tilespmem:s13+$0xFFFFFF20];
	v6 =	vadd.f32 v9, v6  }
0x235: {  	v9 =	vld [tilespmem:s8+$0xFFFFFF20];
	[tilespmem:s29+$0xFFFFFF90] =	vst v3;
	v3 =	vmul.f32 $1.131370830e+01, v4  }
0x236: {  	v4 =	vld [tilespmem:s13+$0xFFFFFFA0];
	[tilespmem:s29+$0x10] =	vst v6;
	v6 =	vmul.f32 $1.131370830e+01, v8  }
0x237: {  	v8 =	vld [tilespmem:s13+$0x20];
	v3 =	vadd.f32 v10, v3  }
0x238: {  	v10 =	vld [tilespmem:s8+$0xFFFFFFA0];
	v1 =	vadd.f32 v5, v1  }
0x239: {  	v5 =	vmul.f32 $1.131370830e+01, v7;
	v7 =	vld [tilespmem:s8+$0x20];
	[tilespmem:s29+$0xA0] =	vst v3  }
0x23a: {  	v3 =	vld [tilespmem:s13+$0xB0];
	[tilespmem:s28+$0xFFFFFF60] =	vst v1  }
0x23b: {  	v1 =	vadd.f32 v9, v5;
	v4 =	vmul.f32 $1.131370830e+01, v4;
	v5 =	vld [tilespmem:s9+$0xFFFFFFE0]  }
0x23c: {  	v8 =	vmul.f32 $1.131370830e+01, v8;
	v9 =	vld [tilespmem:s8+$0xB0]  }
0x23d: {  	[tilespmem:s29+$0xFFFFFF20] =	vst v1;
	v1 =	vadd.f32 v10, v4;
	v4 =	vld [tilespmem:s9+$0x60]  }
0x23e: {  	v10 =	vld [tilespmem:s13+$0xFFFFFF30];
	v7 =	vadd.f32 v7, v8  }
0x23f: {  	v8 =	vld [tilespmem:s8+$0xFFFFFF30];
	[tilespmem:s29+$0xFFFFFFA0] =	vst v1;
	v1 =	vmul.f32 $1.131370830e+01, v3  }
0x240: {  	v3 =	vld [tilespmem:s13+$0xFFFFFFB0];
	[tilespmem:s29+$0x20] =	vst v7;
	v2 =	vadd.f32 v5, v2  }
0x241: {  	v5 =	vld [tilespmem:s13+$0x30];
	v1 =	vadd.f32 v9, v1  }
0x242: {  	v7 =	vld [tilespmem:s8+$0xFFFFFFB0];
	[tilespmem:s28+$0xFFFFFFE0] =	vst v2;
	v2 =	vadd.f32 v4, v6  }
0x243: {  	v4 =	vmul.f32 $1.131370830e+01, v10;
	v6 =	vld [tilespmem:s8+$0x30];
	[tilespmem:s29+$0xB0] =	vst v1  }
0x244: {  	v1 =	vld [tilespmem:s13+$0xC0];
	[tilespmem:s28+$0x60] =	vst v2  }
0x245: {  	v2 =	vadd.f32 v8, v4;
	v3 =	vmul.f32 $1.131370830e+01, v3;
	v4 =	vld [tilespmem:s7+$0xFFFFFF70]  }
0x246: {  	v5 =	vmul.f32 $1.131370830e+01, v5;
	v8 =	vld [tilespmem:s8+$0xC0]  }
0x247: {  	[tilespmem:s29+$0xFFFFFF30] =	vst v2;
	v2 =	vadd.f32 v7, v3;
	v3 =	vld [tilespmem:s7+$0xFFFFFFF0]  }
0x248: {  	v7 =	vld [tilespmem:s13+$0xFFFFFF40];
	v5 =	vadd.f32 v6, v5  }
0x249: {  	v6 =	vld [tilespmem:s8+$0xFFFFFF40];
	[tilespmem:s29+$0xFFFFFFB0] =	vst v2;
	v1 =	vmul.f32 $1.131370830e+01, v1  }
0x24a: {  	v2 =	vld [tilespmem:s13+$0xFFFFFFC0];
	[tilespmem:s29+$0x30] =	vst v5;
	v4 =	vmul.f32 $1.131370830e+01, v4  }
0x24b: {  	v5 =	vld [tilespmem:s13+$0x40];
	v8 =	vadd.f32 v8, v1  }
0x24c: {  	v9 =	vld [tilespmem:s8+$0xFFFFFFC0];
	v1 =	vmul.f32 $1.131370830e+01, v3  }
0x24d: {  	v3 =	vmul.f32 $1.131370830e+01, v7;
	v7 =	vld [tilespmem:s8+$0x40];
	[tilespmem:s29+$0xC0] =	vst v8  }
0x24e: {  	v8 =	vld [tilespmem:s13+$0xD0]  }
0x24f: {  	v3 =	vadd.f32 v6, v3;
	v2 =	vmul.f32 $1.131370830e+01, v2;
	v6 =	vld [tilespmem:s7+$0x70];
	s7 =	smov.u32 s13  }
0x250: {  	v5 =	vmul.f32 $1.131370830e+01, v5;
	v10 =	vld [tilespmem:s8+$0xD0]  }
0x251: {  	[tilespmem:s29+$0xFFFFFF40] =	vst v3;
	v2 =	vadd.f32 v9, v2;
	v3 =	vld [tilespmem:s9+$0xFFFFFF70]  }
0x252: {  	v9 =	vld [tilespmem:s13+$0xFFFFFF50];
	v5 =	vadd.f32 v7, v5  }
0x253: {  	v11 =	vld [tilespmem:s8+$0xFFFFFF50];
	[tilespmem:s29+$0xFFFFFFC0] =	vst v2;
	v7 =	vmul.f32 $1.131370830e+01, v8  }
0x254: {  	v8 =	vld [tilespmem:s13+$0xFFFFFFD0];
	[tilespmem:s29+$0x40] =	vst v5;
	v2 =	vmul.f32 $1.131370830e+01, v6  }
0x255: {  	v6 =	vld [tilespmem:s13+$0x50];
	v5 =	vadd.f32 v10, v7  }
0x256: {  	v10 =	vld [tilespmem:s8+$0xFFFFFFD0];
	v3 =	vadd.f32 v3, v4  }
.Ltmp3:
0x257: {  	v4 =	vmul.f32 $1.131370830e+01, v9;
	v7 =	vld [tilespmem:s8+$0x50];
	[tilespmem:s29+$0xD0] =	vst v5;
	(pc) =	sbr.rel @p1 .LBB2_9-.Ltmp3, $4  }
0x258: {  	v5 =	vld [tilespmem:s13+$0xE0];
	[tilespmem:s28+$0xFFFFFF70] =	vst v3  }
0x259: {  	v4 =	vadd.f32 v11, v4;
	v9 =	vmul.f32 $1.131370830e+01, v8;
	v3 =	vld [tilespmem:s9+$0xFFFFFFF0]  }
0x25a: {  	v8 =	vmul.f32 $1.131370830e+01, v6;
	v6 =	vld [tilespmem:s8+$0xE0]  }
0x25b: {  	s13 =	sadd.s32 $0x200, s13;
	[tilespmem:s29+$0xFFFFFF50] =	vst v4;
	v9 =	vadd.f32 v10, v9;
	v4 =	vld [tilespmem:s9+$0x70];
	s9 =	smov.u32 s8  }
0x25c: {  	v7 =	vadd.f32 v7, v8;
	v51 =	vld [tilespmem:s7+$0xFFFFFF60]  }
0x25d: {  	v10 =	vld [tilespmem:s9+$0xFFFFFF60];
	[tilespmem:s29+$0xFFFFFFD0] =	vst v9  }
0x25e: {  	[tilespmem:s29+$0x50] =	vst v7;
	v52 =	vld [tilespmem:s7+$0xFFFFFFE0]  }
0x25f: {  	v5 =	vmul.f32 $1.131370830e+01, v5;
	v53 =	vld [tilespmem:s7+$0x60]  }
0x260: {  	v11 =	vld [tilespmem:s9+$0xFFFFFFE0]  }
0x261: {  	v12 =	vld [tilespmem:s9+$0x60];
	v5 =	vadd.f32 v6, v5;
	v54 =	vmul.f32 $1.131370830e+01, v51;
	_ =	sdelay $0x1  }
0x262: {  	[tilespmem:s29+$0xE0] =	vst v5;
	v7 =	vmul.f32 $1.131370830e+01, v52;
	v6 =	vadd.f32 v10, v54  }
0x263: {  	v56 =	vld [tilespmem:s7+$0xF0];
	v55 =	vmul.f32 $1.131370830e+01, v53  }
0x264: {  	v57 =	vld [tilespmem:s9+$0xF0];
	v7 =	vadd.f32 v11, v7;
	[tilespmem:s29+$0xFFFFFF60] =	vst v6  }
0x265: {  	v5 =	vadd.f32 v12, v55;
	v6 =	vld [tilespmem:s7+$0xFFFFFF70]  }
0x266: {  	v60 =	vld [tilespmem:s9+$0xFFFFFF70];
	[tilespmem:s29+$0xFFFFFFE0] =	vst v7  }
0x267: {  	[tilespmem:s29+$0x60] =	vst v5;
	v58 =	vld [tilespmem:s7+$0xFFFFFFF0]  }
0x268: {  	v59 =	vld [tilespmem:s7+$0x70]  }
0x269: {  	v61 =	vld [tilespmem:s9+$0xFFFFFFF0]  }
0x26a: {  	v1 =	vadd.f32 v3, v1;
	v3 =	vmul.f32 $1.131370830e+01, v56;
	v62 =	vld [tilespmem:s9+$0x70]  }
0x26b: {  	v2 =	vadd.f32 v4, v2;
	v63 =	vmul.f32 $1.131370830e+01, v6  }
0x26c: {  	[tilespmem:s28+$0xFFFFFFF0] =	vst v1;
	v1 =	vadd.f32 v57, v3;
	v3 =	vmul.f32 $1.131370830e+01, v58  }
0x26d: {  	[tilespmem:s28+$0x70] =	vst v2;
	v4 =	vadd.f32 v60, v63;
	v2 =	vmul.f32 $1.131370830e+01, v59  }
0x26e: {  	[tilespmem:s29+$0xF0] =	vst v1;
	v1 =	vadd.f32 v61, v3  }
0x26f: {  	[tilespmem:s29+$0xFFFFFF70] =	vst v4;
	v2 =	vadd.f32 v62, v2  }
0x270: {  	s8 =	simm.s32 @!p0 $0x40;
	s7 =	sadd.s32 @!p0 $0x600, s26;
	[tilespmem:s29+$0xFFFFFFF0] =	vst v1  }
0x271: {  	s11 =	simm.s32 @!p0 $0xBC00;
	s9 =	simm.s32 @!p0 $0x9C00;
	s7 =	sshra.s32 @!p0 s7, $0x2;
	[tilespmem:s29+$0x70] =	vst v2  }
0x272: {  	[tilespmem:s9], [sflag:$0x2] =	stream.indirect.gather @!p0 [hbm4b:s1+s8], $0x80, s7, s8, $0xb8;
	[tilespmem:$0x1DC00] =	vst v63  }
0x273: {  	s29 =	sshll.u32 s25, $0xC;
	s25 =	sadd.s32 $0x1, s25;
	s9 =	sadd.s32 @!p0 $0x40, s7  }
0x274: {  	[tilespmem:s11], [sflag:$0x4] =	stream.indirect.gather @!p0 [hbm4b:s1+s8], $0x80, s9, s8, $0xb8;
	[tilespmem:$0x1DC00] =	vst v63  }
0x275: {  	s7 =	sadd.s32 @!p0 $0x3200, s7;
	s8 =	simm.s32 @!p0 $0x80;
	s9 =	simm.s32 @!p0 $0x11C00  }
0x276: {  	[tilespmem:s9], [sflag:$0x6] =	stream.indirect.gather @!p0 [spmem:s5], $0x80, s7, s8, $0xb8;
	[tilespmem:$0x1DC00] =	vst v63  }
0x277: {  	p0 =	sne.s32 s25, $0x19  }
.Ltmp4:
0x278: {  	_ = 	snop;
	(pc) =	sbr.rel @p0 .LBB2_6-.Ltmp4, $3  }
0x279: {  	_ =	sdelay $0x1  }
0x27a: {  	s7 =	sadd.s32 s14, s29  }
0x27b: {  	[hbm4b:s7+s6] =	stream.linear.scatter [tilespmem:s20], [sflag:$0x8], $0x4000, $0x38;
	[tilespmem:$0x1DC00] =	vst v63  }
0x27c: {  	_ =	swait.ge [sflag:s22], $0x4000  }
0x27d: {  	[sflag:s22] =	ssyncset.done $0x0  }
0x27e: {  	[sflag:s22] =	ssyncadd.s32 $0xFFFFC000  }
0x27f: {  	_ =	swait.ge [sflag:s23], $0x4000  }
0x280: {  	s24 =	sadd.s32 $0x1, s24;
	s7 =	rddreg [dreg:$0xa]  }
0x281: {  	p0 =	sne.s32 s24, s7  }
.Ltmp5:
0x282: {  	_ = 	snop;
	(pc) =	sbr.rel @p0 .LBB2_1-.Ltmp5, $3  }
0x283: {  	_ =	sdelay $0x1  }
0x284: {  	[sflag:s23] =	ssyncset.done $0x0  }
0x285: {  	[sflag:s23] =	ssyncadd.s32 $0xFFFFC000  }
0x286: {  	_ =	sfence.sel $0x180000  }
0x287: {  	[bflag:$0x0] =	sbarrier.arrive $0xFFFF  }
0x288: {  	_ =	strace $0x90000047  }
0x289: {  	s0 =	stileid.u32;
	[bflag:$0x2] =	sbarrier.arrive $0xFFFF  }
0x28a: {  	p0 =	sne.s32 s0, $0x0;
	s0 =	rddreg [dreg:$0x5]  }
0x28b: {  	s0 =	sadd.s32 @!p0 $0x100000, s0  }
0x28c: {  	[sflag:s0] =	ssyncadd.tile.s32 @!p0 $0x1;
	_ =	shalt  }
.Lfunc_end2:
_tile_overlayer_lowered:
.L_overlay_start_2:
0x28d: {  	(tag) =	ssettag $0x2  }
0x28e: {  	s0 =	rddreg [dreg:$0x0];
	s2 =	stileid.u32  }
0x28f: {  	s1 =	rddreg [dreg:$0x1];
	p0 =	sne.s32 s2, $0x0  }
0x290: {  	s3 =	rddreg [dreg:$0x2];
	[bflag:$0x3] =	sbarrier.arrive $0xFFFF;
	s2 =	simm.s32 @!p0 $0x1C09  }
0x291: {  	[timem:s3], [sflag:s2] =	dma.local @!p0 [hbm:s0], s1  }
0x292: {  	s0 =	simm.s32 @!p0 $0x9  }
0x293: {  	_ =	swait.ge @!p0 [sflag:s0], s1  }
0x294: {  	s1 =	ssub.s32 @!p0 $0x0, s1;
	[sflag:s0] =	ssyncset.done @!p0 $0x0  }
0x295: {  	[sflag:s0] =	ssyncadd.s32 @!p0 s1  }
0x296: {  	[bflag:$0x3] =	sbarrier.arrive $0xFFFF  }
0x297: {  	_ =	shalt  }

</sc_bundles>
